<compile_context>
chip_gen: v7x
topology: tpu7x:2x2x1
jax: 0.10.2.dev20260603
libtpu: 0.0.44.dev20260713+nightly
codegen_flags: <defaults>
</compile_context>

<pallas_src>
import functools

import jax
import jax.numpy as jnp
from jax import lax
from jax.experimental import pallas as pl
from jax.experimental.pallas import tpu as pltpu
from jax.experimental.pallas import tpu_sc as plsc

N_NODES = 10000
N_EDGES = 160000
D_FEAT = 256
D_HALF = 128
N_CORES = 2
N_TILES = 16

BLOCK_E = 80
N_BLOCKS = 126
EDGES_PER_TILE = N_BLOCKS * BLOCK_E
E_PAD = EDGES_PER_TILE * N_TILES
N_PAD = 10240
ROWS_PER_TILE = N_PAD // N_TILES



def _weight_body(x_ref, cj_ref, w0_ref, w1_ref):
    w0_ref[...] = x_ref[:, :D_HALF] * cj_ref[...]
    w1_ref[...] = x_ref[:, D_HALF:] * cj_ref[...]


_R = 1000

_tc_weight = pl.pallas_call(
    _weight_body,
    grid=(N_NODES // _R,),
    in_specs=[
        pl.BlockSpec((_R, D_FEAT), lambda i: (i, 0)),
        pl.BlockSpec((_R, 1), lambda i: (i, 0)),
    ],
    out_specs=[
        pl.BlockSpec((_R, D_HALF), lambda i: (i, 0)),
        pl.BlockSpec((_R, D_HALF), lambda i: (i, 0)),
    ],
    out_shape=[
        jax.ShapeDtypeStruct((N_NODES, D_HALF), jnp.float32),
        jax.ShapeDtypeStruct((N_NODES, D_HALF), jnp.float32),
    ],
)



N_BUF = 3
N_IBUF = 2 * N_BUF


def _sc_body(w0_hbm, w1_hbm, idx_hbm, zero_hbm, out_hbm,
             ibs, rowss, acc, isems, gsems):
    c = lax.axis_index("c")
    s = lax.axis_index("s")
    out_off = c * N_PAD

    def idx_start(i, ji):
        pltpu.async_copy(idx_hbm.at[s, i], ibs[ji], isems[ji])

    def idx_wait(ji):
        pltpu.make_async_copy(idx_hbm.at[0, 0], ibs[ji], isems[ji]).wait()

    def start_gather(ji, jr):
        @pl.when(c == 0)
        def _():
            pltpu.async_copy(w0_hbm.at[ibs[ji].at[0]], rowss[jr], gsems[jr])

        @pl.when(c == 1)
        def _():
            pltpu.async_copy(w1_hbm.at[ibs[ji].at[0]], rowss[jr], gsems[jr])

    def wait_gather(jr):
        pltpu.make_async_copy(w0_hbm.at[pl.ds(0, BLOCK_E)], rowss[jr],
                              gsems[jr]).wait()

    def scatter(ji, jr):
        pltpu.sync_copy(rowss[jr], acc.at[ibs[ji].at[1]], add=True)

    for j in range(N_IBUF):
        idx_start(j, j)
    r0 = s * ROWS_PER_TILE
    pltpu.sync_copy(zero_hbm.at[pl.ds(r0, ROWS_PER_TILE)],
                    acc.at[pl.ds(r0, ROWS_PER_TILE)])
    plsc.subcore_barrier()

    for j in range(N_BUF):
        idx_wait(j)
        start_gather(j, j)

    def ring(k, carry):
        base = N_IBUF * k
        for j in range(N_IBUF):
            i = base + j
            jr = j % N_BUF
            wait_gather(jr)
            scatter(j, jr)

            @pl.when(i + N_IBUF < N_BLOCKS)
            def _():
                idx_start(i + N_IBUF, j)

            @pl.when(i + N_BUF < N_BLOCKS)
            def _():
                idx_wait((j + N_BUF) % N_IBUF)
                start_gather((j + N_BUF) % N_IBUF, jr)

        return carry

    lax.fori_loop(0, N_BLOCKS // N_IBUF, ring, 0)

    plsc.subcore_barrier()
    pltpu.sync_copy(acc.at[pl.ds(r0, ROWS_PER_TILE)],
                    out_hbm.at[pl.ds(out_off + r0, ROWS_PER_TILE)])


_sc_gather_scatter = functools.partial(
    pl.kernel,
    out_type=jax.ShapeDtypeStruct((N_CORES * N_PAD, D_HALF), jnp.float32),
    mesh=plsc.VectorSubcoreMesh(core_axis_name="c", subcore_axis_name="s"),
    scratch_types=[
        [pltpu.VMEM((2, BLOCK_E), jnp.int32) for _ in range(N_IBUF)],
        [pltpu.VMEM((BLOCK_E, D_HALF), jnp.float32) for _ in range(N_BUF)],
        pltpu.VMEM_SHARED((N_PAD, D_HALF), jnp.float32),
        [pltpu.SemaphoreType.DMA for _ in range(N_IBUF)],
        [pltpu.SemaphoreType.DMA for _ in range(N_BUF)],
    ],
)(_sc_body)



def _scale_body(a_ref, ci_ref, o_ref):
    o_ref[:, :D_HALF] = a_ref[0] * ci_ref[...]
    o_ref[:, D_HALF:] = a_ref[1] * ci_ref[...]


_tc_scale = pl.pallas_call(
    _scale_body,
    grid=(N_NODES // _R,),
    in_specs=[
        pl.BlockSpec((N_CORES, _R, D_HALF), lambda i: (0, i, 0)),
        pl.BlockSpec((_R, 1), lambda i: (i, 0)),
    ],
    out_specs=pl.BlockSpec((_R, D_FEAT), lambda i: (i, 0)),
    out_shape=jax.ShapeDtypeStruct((N_NODES, D_FEAT), jnp.float32),
)


def kernel(src_feats, edge_index, cj, ci):
    src = edge_index[0].astype(jnp.int32)
    dst = edge_index[1].astype(jnp.int32)
    pad = E_PAD - N_EDGES
    src3 = jnp.concatenate([src, jnp.zeros((pad,), jnp.int32)])
    src3 = src3.reshape(N_TILES, N_BLOCKS, BLOCK_E)
    pad_dst = N_NODES + (jnp.arange(pad, dtype=jnp.int32) % (N_PAD - N_NODES))
    dst3 = jnp.concatenate([dst, pad_dst])
    dst3 = dst3.reshape(N_TILES, N_BLOCKS, BLOCK_E)
    idx = jnp.stack([src3, dst3], axis=2)

    w0, w1 = _tc_weight(src_feats, cj)
    zeros = jnp.zeros((N_PAD, D_HALF), jnp.float32)
    agg = _sc_gather_scatter(w0, w1, idx, zeros)
    return _tc_scale(agg.reshape(N_CORES, N_PAD, D_HALF), ci)

# --- scband reference (transcript-rebuilt; emitter-appended) ---
"""Pipeline reference for scband-light-graph-conv-9672266351221 (READ-ONLY COPY).

The authoritative reference and input builder live on the scoring server;
editing this copy changes nothing except your own understanding.
"""

import jax, jax.numpy as jnp
import numpy as np

N_NODES = 10000
N_EDGES = 160000
D_FEAT = 256

def setup_inputs(seed: int = 0) -> dict:
    key = jax.random.key(seed)
    k1, k2, k3, k4 = jax.random.split(key, 4)
    src_feats = jax.random.normal(k1, (N_NODES, D_FEAT), dtype=jnp.float32)
    edge_index = jax.random.randint(k2, (2, N_EDGES), 0, N_NODES, dtype=jnp.int64)
    cj = jax.random.uniform(k3, (N_NODES, 1), dtype=jnp.float32)
    ci = jax.random.uniform(k4, (N_NODES, 1), dtype=jnp.float32)
    return {"src_feats": src_feats, "edge_index": edge_index, "cj": cj, "ci": ci}

def reference(src_feats, edge_index, cj, ci):
    # LightGraphConv (eval mode: dropout on cj is identity)
    # 1. weight source features by cj (out-degree ** -1/2 stand-in)
    weighted_feats = src_feats * cj  # broadcast [N,1] over [N,D]
    # 2. message passing: m_{j->i} = weighted_feats[j] for each edge (j=src, i=dst)
    src_idx = edge_index[0]
    dst_idx = edge_index[1]
    messages = jnp.take(weighted_feats, src_idx, axis=0)  # gather [E, D]
    # 3. aggregation: sum messages per destination node (scatter-add)
    aggregated = jax.ops.segment_sum(messages, dst_idx, num_segments=N_NODES)
    # 4. scale by ci (in-degree ** -1/2 stand-in)
    out = aggregated * ci
    return out

if __name__ == "__main__":
    import jax
    _d = setup_inputs()
    print(jax.jit(kernel)(*tuple(_d.values())))

</pallas_src>

<mosaic_0001>
#map = affine_map<(d0, d1) -> (0, 0)>
#map1 = affine_map<(d0, d1) -> (0, 0, 0, 0)>
module attributes {stable_mosaic.version = 14 : i64} {
  func.func @_sc_body(%arg0: i32, %arg1: i32, %arg2: memref<10000x128xf32, #tpu.memory_space<hbm>>, %arg3: memref<10000x128xf32, #tpu.memory_space<hbm>>, %arg4: memref<16x126x2x80xi32, #tpu.memory_space<hbm>>, %arg5: memref<10240x128xf32, #tpu.memory_space<hbm>>, %arg6: memref<20480x128xf32, #tpu.memory_space<hbm>>, %arg7: memref<2x80xi32, #tpu.memory_space<vmem>>, %arg8: memref<2x80xi32, #tpu.memory_space<vmem>>, %arg9: memref<2x80xi32, #tpu.memory_space<vmem>>, %arg10: memref<2x80xi32, #tpu.memory_space<vmem>>, %arg11: memref<2x80xi32, #tpu.memory_space<vmem>>, %arg12: memref<2x80xi32, #tpu.memory_space<vmem>>, %arg13: memref<80x128xf32, #tpu.memory_space<vmem>>, %arg14: memref<80x128xf32, #tpu.memory_space<vmem>>, %arg15: memref<80x128xf32, #tpu.memory_space<vmem>>, %arg16: memref<10240x128xf32, #tpu.memory_space<vmem_shared>>, %arg17: memref<!tpu.dma_semaphore, #tpu.memory_space<semaphore_mem>>, %arg18: memref<!tpu.dma_semaphore, #tpu.memory_space<semaphore_mem>>, %arg19: memref<!tpu.dma_semaphore, #tpu.memory_space<semaphore_mem>>, %arg20: memref<!tpu.dma_semaphore, #tpu.memory_space<semaphore_mem>>, %arg21: memref<!tpu.dma_semaphore, #tpu.memory_space<semaphore_mem>>, %arg22: memref<!tpu.dma_semaphore, #tpu.memory_space<semaphore_mem>>, %arg23: memref<!tpu.dma_semaphore, #tpu.memory_space<semaphore_mem>>, %arg24: memref<!tpu.dma_semaphore, #tpu.memory_space<semaphore_mem>>, %arg25: memref<!tpu.dma_semaphore, #tpu.memory_space<semaphore_mem>>) attributes {dimension_semantics = [#tpu.dimension_semantics<core_parallel>, #tpu.dimension_semantics<subcore_parallel>], iteration_bounds = array<i64: 2, 16>, scalar_prefetch = 0 : i64, scratch_operands = 19 : i64, tpu.core_type = #tpu.core_type<sc_vector_subcore>, window_params = [{transform_indices = #map}, {transform_indices = #map}, {transform_indices = #map1}, {transform_indices = #map}, {transform_indices = #map}]} {
    %mul3A = arith.constant 10240 : i32
    %mul3A_0 = arith.muli %arg0, %mul3A : i32
    %dma_start3A = arith.constant 0 : i32
    %dma_start3A_1 = arith.constant 0 : i32
    %dma_start3A_2 = arith.constant 0 : i32
    %dma_start3A_3 = tpu.memref_slice %arg4[%arg1, %dma_start3A, %dma_start3A_1, %dma_start3A_2] : memref<16x126x2x80xi32, #tpu.memory_space<hbm>> -> memref<1x1x2x80xi32, #tpu.memory_space<hbm>>
    %dma_start3A_4 = tpu.memref_squeeze %dma_start3A_3 : memref<1x1x2x80xi32, #tpu.memory_space<hbm>> -> memref<2x80xi32, #tpu.memory_space<hbm>>
    %dma_start3A_5 = arith.constant 0 : i32
    %dma_start3A_6 = arith.constant 0 : i32
    %dma_start3A_7 = tpu.memref_slice %arg4[%arg1, %dma_start3A, %dma_start3A_5, %dma_start3A_6] : memref<16x126x2x80xi32, #tpu.memory_space<hbm>> -> memref<1x1x2x80xi32, #tpu.memory_space<hbm>>
    %dma_start3A_8 = tpu.memref_squeeze %dma_start3A_7 : memref<1x1x2x80xi32, #tpu.memory_space<hbm>> -> memref<2x80xi32, #tpu.memory_space<hbm>>
    tpu.enqueue_dma source(%dma_start3A_8 : memref<2x80xi32, #tpu.memory_space<hbm>>) target(%arg7 : memref<2x80xi32, #tpu.memory_space<vmem>>) target_semaphore(%arg17 : memref<!tpu.dma_semaphore, #tpu.memory_space<semaphore_mem>>)
    %dma_start3A_9 = arith.constant 1 : i32
    %dma_start3A_10 = arith.constant 0 : i32
    %dma_start3A_11 = arith.constant 0 : i32
    %dma_start3A_12 = tpu.memref_slice %arg4[%arg1, %dma_start3A_9, %dma_start3A_10, %dma_start3A_11] : memref<16x126x2x80xi32, #tpu.memory_space<hbm>> -> memref<1x1x2x80xi32, #tpu.memory_space<hbm>>
    %dma_start3A_13 = tpu.memref_squeeze %dma_start3A_12 : memref<1x1x2x80xi32, #tpu.memory_space<hbm>> -> memref<2x80xi32, #tpu.memory_space<hbm>>
    %dma_start3A_14 = arith.constant 0 : i32
    %dma_start3A_15 = arith.constant 0 : i32
    %dma_start3A_16 = tpu.memref_slice %arg4[%arg1, %dma_start3A_9, %dma_start3A_14, %dma_start3A_15] : memref<16x126x2x80xi32, #tpu.memory_space<hbm>> -> memref<1x1x2x80xi32, #tpu.memory_space<hbm>>
    %dma_start3A_17 = tpu.memref_squeeze %dma_start3A_16 : memref<1x1x2x80xi32, #tpu.memory_space<hbm>> -> memref<2x80xi32, #tpu.memory_space<hbm>>
    tpu.enqueue_dma source(%dma_start3A_17 : memref<2x80xi32, #tpu.memory_space<hbm>>) target(%arg8 : memref<2x80xi32, #tpu.memory_space<vmem>>) target_semaphore(%arg18 : memref<!tpu.dma_semaphore, #tpu.memory_space<semaphore_mem>>)
    %dma_start3A_18 = arith.constant 2 : i32
    %dma_start3A_19 = arith.constant 0 : i32
    %dma_start3A_20 = arith.constant 0 : i32
    %dma_start3A_21 = tpu.memref_slice %arg4[%arg1, %dma_start3A_18, %dma_start3A_19, %dma_start3A_20] : memref<16x126x2x80xi32, #tpu.memory_space<hbm>> -> memref<1x1x2x80xi32, #tpu.memory_space<hbm>>
    %dma_start3A_22 = tpu.memref_squeeze %dma_start3A_21 : memref<1x1x2x80xi32, #tpu.memory_space<hbm>> -> memref<2x80xi32, #tpu.memory_space<hbm>>
    %dma_start3A_23 = arith.constant 0 : i32
    %dma_start3A_24 = arith.constant 0 : i32
    %dma_start3A_25 = tpu.memref_slice %arg4[%arg1, %dma_start3A_18, %dma_start3A_23, %dma_start3A_24] : memref<16x126x2x80xi32, #tpu.memory_space<hbm>> -> memref<1x1x2x80xi32, #tpu.memory_space<hbm>>
    %dma_start3A_26 = tpu.memref_squeeze %dma_start3A_25 : memref<1x1x2x80xi32, #tpu.memory_space<hbm>> -> memref<2x80xi32, #tpu.memory_space<hbm>>
    tpu.enqueue_dma source(%dma_start3A_26 : memref<2x80xi32, #tpu.memory_space<hbm>>) target(%arg9 : memref<2x80xi32, #tpu.memory_space<vmem>>) target_semaphore(%arg19 : memref<!tpu.dma_semaphore, #tpu.memory_space<semaphore_mem>>)
    %dma_start3A_27 = arith.constant 3 : i32
    %dma_start3A_28 = arith.constant 0 : i32
    %dma_start3A_29 = arith.constant 0 : i32
    %dma_start3A_30 = tpu.memref_slice %arg4[%arg1, %dma_start3A_27, %dma_start3A_28, %dma_start3A_29] : memref<16x126x2x80xi32, #tpu.memory_space<hbm>> -> memref<1x1x2x80xi32, #tpu.memory_space<hbm>>
    %dma_start3A_31 = tpu.memref_squeeze %dma_start3A_30 : memref<1x1x2x80xi32, #tpu.memory_space<hbm>> -> memref<2x80xi32, #tpu.memory_space<hbm>>
    %dma_start3A_32 = arith.constant 0 : i32
    %dma_start3A_33 = arith.constant 0 : i32
    %dma_start3A_34 = tpu.memref_slice %arg4[%arg1, %dma_start3A_27, %dma_start3A_32, %dma_start3A_33] : memref<16x126x2x80xi32, #tpu.memory_space<hbm>> -> memref<1x1x2x80xi32, #tpu.memory_space<hbm>>
    %dma_start3A_35 = tpu.memref_squeeze %dma_start3A_34 : memref<1x1x2x80xi32, #tpu.memory_space<hbm>> -> memref<2x80xi32, #tpu.memory_space<hbm>>
    tpu.enqueue_dma source(%dma_start3A_35 : memref<2x80xi32, #tpu.memory_space<hbm>>) target(%arg10 : memref<2x80xi32, #tpu.memory_space<vmem>>) target_semaphore(%arg20 : memref<!tpu.dma_semaphore, #tpu.memory_space<semaphore_mem>>)
    %dma_start3A_36 = arith.constant 4 : i32
    %dma_start3A_37 = arith.constant 0 : i32
    %dma_start3A_38 = arith.constant 0 : i32
    %dma_start3A_39 = tpu.memref_slice %arg4[%arg1, %dma_start3A_36, %dma_start3A_37, %dma_start3A_38] : memref<16x126x2x80xi32, #tpu.memory_space<hbm>> -> memref<1x1x2x80xi32, #tpu.memory_space<hbm>>
    %dma_start3A_40 = tpu.memref_squeeze %dma_start3A_39 : memref<1x1x2x80xi32, #tpu.memory_space<hbm>> -> memref<2x80xi32, #tpu.memory_space<hbm>>
    %dma_start3A_41 = arith.constant 0 : i32
    %dma_start3A_42 = arith.constant 0 : i32
    %dma_start3A_43 = tpu.memref_slice %arg4[%arg1, %dma_start3A_36, %dma_start3A_41, %dma_start3A_42] : memref<16x126x2x80xi32, #tpu.memory_space<hbm>> -> memref<1x1x2x80xi32, #tpu.memory_space<hbm>>
    %dma_start3A_44 = tpu.memref_squeeze %dma_start3A_43 : memref<1x1x2x80xi32, #tpu.memory_space<hbm>> -> memref<2x80xi32, #tpu.memory_space<hbm>>
    tpu.enqueue_dma source(%dma_start3A_44 : memref<2x80xi32, #tpu.memory_space<hbm>>) target(%arg11 : memref<2x80xi32, #tpu.memory_space<vmem>>) target_semaphore(%arg21 : memref<!tpu.dma_semaphore, #tpu.memory_space<semaphore_mem>>)
    %dma_start3A_45 = arith.constant 5 : i32
    %dma_start3A_46 = arith.constant 0 : i32
    %dma_start3A_47 = arith.constant 0 : i32
    %dma_start3A_48 = tpu.memref_slice %arg4[%arg1, %dma_start3A_45, %dma_start3A_46, %dma_start3A_47] : memref<16x126x2x80xi32, #tpu.memory_space<hbm>> -> memref<1x1x2x80xi32, #tpu.memory_space<hbm>>
    %dma_start3A_49 = tpu.memref_squeeze %dma_start3A_48 : memref<1x1x2x80xi32, #tpu.memory_space<hbm>> -> memref<2x80xi32, #tpu.memory_space<hbm>>
    %dma_start3A_50 = arith.constant 0 : i32
    %dma_start3A_51 = arith.constant 0 : i32
    %dma_start3A_52 = tpu.memref_slice %arg4[%arg1, %dma_start3A_45, %dma_start3A_50, %dma_start3A_51] : memref<16x126x2x80xi32, #tpu.memory_space<hbm>> -> memref<1x1x2x80xi32, #tpu.memory_space<hbm>>
    %dma_start3A_53 = tpu.memref_squeeze %dma_start3A_52 : memref<1x1x2x80xi32, #tpu.memory_space<hbm>> -> memref<2x80xi32, #tpu.memory_space<hbm>>
    tpu.enqueue_dma source(%dma_start3A_53 : memref<2x80xi32, #tpu.memory_space<hbm>>) target(%arg12 : memref<2x80xi32, #tpu.memory_space<vmem>>) target_semaphore(%arg22 : memref<!tpu.dma_semaphore, #tpu.memory_space<semaphore_mem>>)
    %mul3A_54 = arith.constant 640 : i32
    %mul3A_55 = arith.muli %arg1, %mul3A_54 : i32
    "tpu.region"() ({
      %run_scoped3A = tpu.sem_alloc : memref<!tpu.dma_semaphore, #tpu.memory_space<semaphore_mem>>
      %dma_start3A_118 = arith.constant 0 : i32
      %dma_start3A_119 = tpu.memref_slice %arg16[%mul3A_55, %dma_start3A_118] : memref<10240x128xf32, #tpu.memory_space<vmem_shared>> -> memref<640x128xf32, #tpu.memory_space<vmem_shared>>
      %dma_start3A_120 = arith.constant 0 : i32
      %dma_start3A_121 = tpu.memref_slice %arg5[%mul3A_55, %dma_start3A_120] : memref<10240x128xf32, #tpu.memory_space<hbm>> -> memref<640x128xf32, #tpu.memory_space<hbm>>
      tpu.enqueue_dma source(%dma_start3A_121 : memref<640x128xf32, #tpu.memory_space<hbm>>) target(%dma_start3A_119 : memref<640x128xf32, #tpu.memory_space<vmem_shared>>) target_semaphore(%run_scoped3A : memref<!tpu.dma_semaphore, #tpu.memory_space<semaphore_mem>>)
      %dma_wait3A_122 = arith.constant 0 : i32
      %dma_wait3A_123 = tpu.memref_slice %arg16[%mul3A_55, %dma_wait3A_122] : memref<10240x128xf32, #tpu.memory_space<vmem_shared>> -> memref<640x128xf32, #tpu.memory_space<vmem_shared>>
      %dma_wait3A_124 = arith.constant 0 : i32
      %dma_wait3A_125 = tpu.memref_slice %arg5[%mul3A_55, %dma_wait3A_124] : memref<10240x128xf32, #tpu.memory_space<hbm>> -> memref<640x128xf32, #tpu.memory_space<hbm>>
      tpu.wait_dma2 semaphore(%run_scoped3A : memref<!tpu.dma_semaphore, #tpu.memory_space<semaphore_mem>>) src(%dma_wait3A_125 : memref<640x128xf32, #tpu.memory_space<hbm>>) dst(%dma_wait3A_123 : memref<640x128xf32, #tpu.memory_space<vmem_shared>>)
      tpu.yield
    }) : () -> ()
    %barrier3A = arith.constant 0 : index
    tpu.barrier barrier_id(%barrier3A)
    %dma_wait3A = arith.constant 0 : i32
    %dma_wait3A_56 = arith.constant 0 : i32
    %dma_wait3A_57 = arith.constant 0 : i32
    %dma_wait3A_58 = arith.constant 0 : i32
    %dma_wait3A_59 = tpu.memref_slice %arg4[%dma_wait3A, %dma_wait3A_56, %dma_wait3A_57, %dma_wait3A_58] : memref<16x126x2x80xi32, #tpu.memory_space<hbm>> -> memref<1x1x2x80xi32, #tpu.memory_space<hbm>>
    %dma_wait3A_60 = tpu.memref_squeeze %dma_wait3A_59 : memref<1x1x2x80xi32, #tpu.memory_space<hbm>> -> memref<2x80xi32, #tpu.memory_space<hbm>>
    %dma_wait3A_61 = arith.constant 0 : i32
    %dma_wait3A_62 = arith.constant 0 : i32
    %dma_wait3A_63 = tpu.memref_slice %arg4[%dma_wait3A, %dma_wait3A_56, %dma_wait3A_61, %dma_wait3A_62] : memref<16x126x2x80xi32, #tpu.memory_space<hbm>> -> memref<1x1x2x80xi32, #tpu.memory_space<hbm>>
    %dma_wait3A_64 = tpu.memref_squeeze %dma_wait3A_63 : memref<1x1x2x80xi32, #tpu.memory_space<hbm>> -> memref<2x80xi32, #tpu.memory_space<hbm>>
    tpu.wait_dma2 semaphore(%arg17 : memref<!tpu.dma_semaphore, #tpu.memory_space<semaphore_mem>>) src(%dma_wait3A_64 : memref<2x80xi32, #tpu.memory_space<hbm>>) dst(%arg7 : memref<2x80xi32, #tpu.memory_space<vmem>>)
    %eq3A = arith.constant 0 : i32
    %eq3A_65 = arith.cmpi eq, %arg0, %eq3A : i32
    %convert_element_type3A = arith.extui %eq3A_65 : i1 to i32
    %cond3A = arith.constant 0 : i32
    %cond3A_66 = arith.cmpi ne, %convert_element_type3A, %cond3A : i32
    scf.if %cond3A_66 {
      %dma_start3A_118 = arith.constant 0 : i32
      %dma_start3A_119 = arith.constant 0 : i32
      %dma_start3A_120 = tpu.memref_slice %arg7[%dma_start3A_118, %dma_start3A_119] : memref<2x80xi32, #tpu.memory_space<vmem>> -> memref<1x80xi32, #tpu.memory_space<vmem>>
      %dma_start3A_121 = tpu.memref_squeeze %dma_start3A_120 : memref<1x80xi32, #tpu.memory_space<vmem>> -> memref<80xi32, #tpu.memory_space<vmem>>
      %dma_start3A_122 = arith.constant 0 : i32
      %dma_start3A_123 = arith.constant 0 : i32
      %dma_start3A_124 = tpu.memref_slice %arg2[%dma_start3A_122, %dma_start3A_123] : memref<10000x128xf32, #tpu.memory_space<hbm>> -> memref<10000x128xf32, #tpu.memory_space<hbm>>
      tpu.enqueue_indirect_dma source(%dma_start3A_124 : memref<10000x128xf32, #tpu.memory_space<hbm>>) target(%arg13 : memref<80x128xf32, #tpu.memory_space<vmem>>) offsets(%dma_start3A_121 : memref<80xi32, #tpu.memory_space<vmem>>) semaphore(%arg23 : memref<!tpu.dma_semaphore, #tpu.memory_space<semaphore_mem>>)
    } else {
    }
    %eq3A_67 = arith.constant 1 : i32
    %eq3A_68 = arith.cmpi eq, %arg0, %eq3A_67 : i32
    %convert_element_type3A_69 = arith.extui %eq3A_68 : i1 to i32
    %cond3A_70 = arith.constant 0 : i32
    %cond3A_71 = arith.cmpi ne, %convert_element_type3A_69, %cond3A_70 : i32
    scf.if %cond3A_71 {
      %dma_start3A_118 = arith.constant 0 : i32
      %dma_start3A_119 = arith.constant 0 : i32
      %dma_start3A_120 = tpu.memref_slice %arg7[%dma_start3A_118, %dma_start3A_119] : memref<2x80xi32, #tpu.memory_space<vmem>> -> memref<1x80xi32, #tpu.memory_space<vmem>>
      %dma_start3A_121 = tpu.memref_squeeze %dma_start3A_120 : memref<1x80xi32, #tpu.memory_space<vmem>> -> memref<80xi32, #tpu.memory_space<vmem>>
      %dma_start3A_122 = arith.constant 0 : i32
      %dma_start3A_123 = arith.constant 0 : i32
      %dma_start3A_124 = tpu.memref_slice %arg3[%dma_start3A_122, %dma_start3A_123] : memref<10000x128xf32, #tpu.memory_space<hbm>> -> memref<10000x128xf32, #tpu.memory_space<hbm>>
      tpu.enqueue_indirect_dma source(%dma_start3A_124 : memref<10000x128xf32, #tpu.memory_space<hbm>>) target(%arg13 : memref<80x128xf32, #tpu.memory_space<vmem>>) offsets(%dma_start3A_121 : memref<80xi32, #tpu.memory_space<vmem>>) semaphore(%arg23 : memref<!tpu.dma_semaphore, #tpu.memory_space<semaphore_mem>>)
    } else {
    }
    %dma_wait3A_72 = arith.constant 0 : i32
    %dma_wait3A_73 = arith.constant 0 : i32
    %dma_wait3A_74 = arith.constant 0 : i32
    %dma_wait3A_75 = arith.constant 0 : i32
    %dma_wait3A_76 = tpu.memref_slice %arg4[%dma_wait3A_72, %dma_wait3A_73, %dma_wait3A_74, %dma_wait3A_75] : memref<16x126x2x80xi32, #tpu.memory_space<hbm>> -> memref<1x1x2x80xi32, #tpu.memory_space<hbm>>
    %dma_wait3A_77 = tpu.memref_squeeze %dma_wait3A_76 : memref<1x1x2x80xi32, #tpu.memory_space<hbm>> -> memref<2x80xi32, #tpu.memory_space<hbm>>
    %dma_wait3A_78 = arith.constant 0 : i32
    %dma_wait3A_79 = arith.constant 0 : i32
    %dma_wait3A_80 = tpu.memref_slice %arg4[%dma_wait3A_72, %dma_wait3A_73, %dma_wait3A_78, %dma_wait3A_79] : memref<16x126x2x80xi32, #tpu.memory_space<hbm>> -> memref<1x1x2x80xi32, #tpu.memory_space<hbm>>
    %dma_wait3A_81 = tpu.memref_squeeze %dma_wait3A_80 : memref<1x1x2x80xi32, #tpu.memory_space<hbm>> -> memref<2x80xi32, #tpu.memory_space<hbm>>
    tpu.wait_dma2 semaphore(%arg18 : memref<!tpu.dma_semaphore, #tpu.memory_space<semaphore_mem>>) src(%dma_wait3A_81 : memref<2x80xi32, #tpu.memory_space<hbm>>) dst(%arg8 : memref<2x80xi32, #tpu.memory_space<vmem>>)
    %eq3A_82 = arith.constant 0 : i32
    %eq3A_83 = arith.cmpi eq, %arg0, %eq3A_82 : i32
    %convert_element_type3A_84 = arith.extui %eq3A_83 : i1 to i32
    %cond3A_85 = arith.constant 0 : i32
    %cond3A_86 = arith.cmpi ne, %convert_element_type3A_84, %cond3A_85 : i32
    scf.if %cond3A_86 {
      %dma_start3A_118 = arith.constant 0 : i32
      %dma_start3A_119 = arith.constant 0 : i32
      %dma_start3A_120 = tpu.memref_slice %arg8[%dma_start3A_118, %dma_start3A_119] : memref<2x80xi32, #tpu.memory_space<vmem>> -> memref<1x80xi32, #tpu.memory_space<vmem>>
      %dma_start3A_121 = tpu.memref_squeeze %dma_start3A_120 : memref<1x80xi32, #tpu.memory_space<vmem>> -> memref<80xi32, #tpu.memory_space<vmem>>
      %dma_start3A_122 = arith.constant 0 : i32
      %dma_start3A_123 = arith.constant 0 : i32
      %dma_start3A_124 = tpu.memref_slice %arg2[%dma_start3A_122, %dma_start3A_123] : memref<10000x128xf32, #tpu.memory_space<hbm>> -> memref<10000x128xf32, #tpu.memory_space<hbm>>
      tpu.enqueue_indirect_dma source(%dma_start3A_124 : memref<10000x128xf32, #tpu.memory_space<hbm>>) target(%arg14 : memref<80x128xf32, #tpu.memory_space<vmem>>) offsets(%dma_start3A_121 : memref<80xi32, #tpu.memory_space<vmem>>) semaphore(%arg24 : memref<!tpu.dma_semaphore, #tpu.memory_space<semaphore_mem>>)
    } else {
    }
    %eq3A_87 = arith.constant 1 : i32
    %eq3A_88 = arith.cmpi eq, %arg0, %eq3A_87 : i32
    %convert_element_type3A_89 = arith.extui %eq3A_88 : i1 to i32
    %cond3A_90 = arith.constant 0 : i32
    %cond3A_91 = arith.cmpi ne, %convert_element_type3A_89, %cond3A_90 : i32
    scf.if %cond3A_91 {
      %dma_start3A_118 = arith.constant 0 : i32
      %dma_start3A_119 = arith.constant 0 : i32
      %dma_start3A_120 = tpu.memref_slice %arg8[%dma_start3A_118, %dma_start3A_119] : memref<2x80xi32, #tpu.memory_space<vmem>> -> memref<1x80xi32, #tpu.memory_space<vmem>>
      %dma_start3A_121 = tpu.memref_squeeze %dma_start3A_120 : memref<1x80xi32, #tpu.memory_space<vmem>> -> memref<80xi32, #tpu.memory_space<vmem>>
      %dma_start3A_122 = arith.constant 0 : i32
      %dma_start3A_123 = arith.constant 0 : i32
      %dma_start3A_124 = tpu.memref_slice %arg3[%dma_start3A_122, %dma_start3A_123] : memref<10000x128xf32, #tpu.memory_space<hbm>> -> memref<10000x128xf32, #tpu.memory_space<hbm>>
      tpu.enqueue_indirect_dma source(%dma_start3A_124 : memref<10000x128xf32, #tpu.memory_space<hbm>>) target(%arg14 : memref<80x128xf32, #tpu.memory_space<vmem>>) offsets(%dma_start3A_121 : memref<80xi32, #tpu.memory_space<vmem>>) semaphore(%arg24 : memref<!tpu.dma_semaphore, #tpu.memory_space<semaphore_mem>>)
    } else {
    }
    %dma_wait3A_92 = arith.constant 0 : i32
    %dma_wait3A_93 = arith.constant 0 : i32
    %dma_wait3A_94 = arith.constant 0 : i32
    %dma_wait3A_95 = arith.constant 0 : i32
    %dma_wait3A_96 = tpu.memref_slice %arg4[%dma_wait3A_92, %dma_wait3A_93, %dma_wait3A_94, %dma_wait3A_95] : memref<16x126x2x80xi32, #tpu.memory_space<hbm>> -> memref<1x1x2x80xi32, #tpu.memory_space<hbm>>
    %dma_wait3A_97 = tpu.memref_squeeze %dma_wait3A_96 : memref<1x1x2x80xi32, #tpu.memory_space<hbm>> -> memref<2x80xi32, #tpu.memory_space<hbm>>
    %dma_wait3A_98 = arith.constant 0 : i32
    %dma_wait3A_99 = arith.constant 0 : i32
    %dma_wait3A_100 = tpu.memref_slice %arg4[%dma_wait3A_92, %dma_wait3A_93, %dma_wait3A_98, %dma_wait3A_99] : memref<16x126x2x80xi32, #tpu.memory_space<hbm>> -> memref<1x1x2x80xi32, #tpu.memory_space<hbm>>
    %dma_wait3A_101 = tpu.memref_squeeze %dma_wait3A_100 : memref<1x1x2x80xi32, #tpu.memory_space<hbm>> -> memref<2x80xi32, #tpu.memory_space<hbm>>
    tpu.wait_dma2 semaphore(%arg19 : memref<!tpu.dma_semaphore, #tpu.memory_space<semaphore_mem>>) src(%dma_wait3A_101 : memref<2x80xi32, #tpu.memory_space<hbm>>) dst(%arg9 : memref<2x80xi32, #tpu.memory_space<vmem>>)
    %eq3A_102 = arith.constant 0 : i32
    %eq3A_103 = arith.cmpi eq, %arg0, %eq3A_102 : i32
    %convert_element_type3A_104 = arith.extui %eq3A_103 : i1 to i32
    %cond3A_105 = arith.constant 0 : i32
    %cond3A_106 = arith.cmpi ne, %convert_element_type3A_104, %cond3A_105 : i32
    scf.if %cond3A_106 {
      %dma_start3A_118 = arith.constant 0 : i32
      %dma_start3A_119 = arith.constant 0 : i32
      %dma_start3A_120 = tpu.memref_slice %arg9[%dma_start3A_118, %dma_start3A_119] : memref<2x80xi32, #tpu.memory_space<vmem>> -> memref<1x80xi32, #tpu.memory_space<vmem>>
      %dma_start3A_121 = tpu.memref_squeeze %dma_start3A_120 : memref<1x80xi32, #tpu.memory_space<vmem>> -> memref<80xi32, #tpu.memory_space<vmem>>
      %dma_start3A_122 = arith.constant 0 : i32
      %dma_start3A_123 = arith.constant 0 : i32
      %dma_start3A_124 = tpu.memref_slice %arg2[%dma_start3A_122, %dma_start3A_123] : memref<10000x128xf32, #tpu.memory_space<hbm>> -> memref<10000x128xf32, #tpu.memory_space<hbm>>
      tpu.enqueue_indirect_dma source(%dma_start3A_124 : memref<10000x128xf32, #tpu.memory_space<hbm>>) target(%arg15 : memref<80x128xf32, #tpu.memory_space<vmem>>) offsets(%dma_start3A_121 : memref<80xi32, #tpu.memory_space<vmem>>) semaphore(%arg25 : memref<!tpu.dma_semaphore, #tpu.memory_space<semaphore_mem>>)
    } else {
    }
    %eq3A_107 = arith.constant 1 : i32
    %eq3A_108 = arith.cmpi eq, %arg0, %eq3A_107 : i32
    %convert_element_type3A_109 = arith.extui %eq3A_108 : i1 to i32
    %cond3A_110 = arith.constant 0 : i32
    %cond3A_111 = arith.cmpi ne, %convert_element_type3A_109, %cond3A_110 : i32
    scf.if %cond3A_111 {
      %dma_start3A_118 = arith.constant 0 : i32
      %dma_start3A_119 = arith.constant 0 : i32
      %dma_start3A_120 = tpu.memref_slice %arg9[%dma_start3A_118, %dma_start3A_119] : memref<2x80xi32, #tpu.memory_space<vmem>> -> memref<1x80xi32, #tpu.memory_space<vmem>>
      %dma_start3A_121 = tpu.memref_squeeze %dma_start3A_120 : memref<1x80xi32, #tpu.memory_space<vmem>> -> memref<80xi32, #tpu.memory_space<vmem>>
      %dma_start3A_122 = arith.constant 0 : i32
      %dma_start3A_123 = arith.constant 0 : i32
      %dma_start3A_124 = tpu.memref_slice %arg3[%dma_start3A_122, %dma_start3A_123] : memref<10000x128xf32, #tpu.memory_space<hbm>> -> memref<10000x128xf32, #tpu.memory_space<hbm>>
      tpu.enqueue_indirect_dma source(%dma_start3A_124 : memref<10000x128xf32, #tpu.memory_space<hbm>>) target(%arg15 : memref<80x128xf32, #tpu.memory_space<vmem>>) offsets(%dma_start3A_121 : memref<80xi32, #tpu.memory_space<vmem>>) semaphore(%arg25 : memref<!tpu.dma_semaphore, #tpu.memory_space<semaphore_mem>>)
    } else {
    }
    %scan3A = arith.constant 0 : i32
    %scan3A_112 = arith.constant 0 : i32
    %scan3A_113 = arith.constant 21 : i32
    %scan3A_114 = arith.addi %scan3A_112, %scan3A_113 : i32
    %scan3A_115 = arith.constant 1 : i32
    scf.for %scan3A_118 = %scan3A_112 to %scan3A_114 step %scan3A_115  : i32 {
      %mul3A_119 = arith.constant 6 : i32
      %mul3A_120 = arith.muli %mul3A_119, %scan3A_118 : i32
      %add3A_121 = arith.constant 0 : i32
      %add3A_122 = arith.addi %mul3A_120, %add3A_121 : i32
      %dma_wait3A_123 = arith.constant 0 : i32
      %dma_wait3A_124 = arith.constant 0 : i32
      %dma_wait3A_125 = tpu.memref_slice %arg2[%dma_wait3A_123, %dma_wait3A_124] : memref<10000x128xf32, #tpu.memory_space<hbm>> -> memref<80x128xf32, #tpu.memory_space<hbm>>
      %dma_wait3A_126 = arith.constant 0 : i32
      %dma_wait3A_127 = arith.constant 0 : i32
      %dma_wait3A_128 = tpu.memref_slice %arg2[%dma_wait3A_126, %dma_wait3A_127] : memref<10000x128xf32, #tpu.memory_space<hbm>> -> memref<80x128xf32, #tpu.memory_space<hbm>>
      tpu.wait_dma2 semaphore(%arg23 : memref<!tpu.dma_semaphore, #tpu.memory_space<semaphore_mem>>) src(%dma_wait3A_128 : memref<80x128xf32, #tpu.memory_space<hbm>>) dst(%arg13 : memref<80x128xf32, #tpu.memory_space<vmem>>)
      %run_scoped3A = arith.constant 1 : i32
      "tpu.region"() ({
        %run_scoped3A_257 = tpu.sem_alloc : memref<!tpu.dma_semaphore, #tpu.memory_space<semaphore_mem>>
        %dma_start3A_258 = arith.constant 0 : i32
        %dma_start3A_259 = tpu.memref_slice %arg7[%run_scoped3A, %dma_start3A_258] : memref<2x80xi32, #tpu.memory_space<vmem>> -> memref<1x80xi32, #tpu.memory_space<vmem>>
        %dma_start3A_260 = tpu.memref_squeeze %dma_start3A_259 : memref<1x80xi32, #tpu.memory_space<vmem>> -> memref<80xi32, #tpu.memory_space<vmem>>
        %dma_start3A_261 = arith.constant 0 : i32
        %dma_start3A_262 = arith.constant 0 : i32
        %dma_start3A_263 = tpu.memref_slice %arg16[%dma_start3A_261, %dma_start3A_262] : memref<10240x128xf32, #tpu.memory_space<vmem_shared>> -> memref<10240x128xf32, #tpu.memory_space<vmem_shared>>
        tpu.enqueue_indirect_dma source(%arg13 : memref<80x128xf32, #tpu.memory_space<vmem>>) target(%dma_start3A_263 : memref<10240x128xf32, #tpu.memory_space<vmem_shared>>) offsets(%dma_start3A_260 : memref<80xi32, #tpu.memory_space<vmem>>) semaphore(%run_scoped3A_257 : memref<!tpu.dma_semaphore, #tpu.memory_space<semaphore_mem>>) {add = true}
        %dma_wait3A_264 = arith.constant 0 : i32
        %dma_wait3A_265 = tpu.memref_slice %arg7[%run_scoped3A, %dma_wait3A_264] : memref<2x80xi32, #tpu.memory_space<vmem>> -> memref<1x80xi32, #tpu.memory_space<vmem>>
        %dma_wait3A_266 = tpu.memref_squeeze %dma_wait3A_265 : memref<1x80xi32, #tpu.memory_space<vmem>> -> memref<80xi32, #tpu.memory_space<vmem>>
        %dma_wait3A_267 = arith.constant 0 : i32
        %dma_wait3A_268 = arith.constant 0 : i32
        %dma_wait3A_269 = tpu.memref_slice %arg16[%dma_wait3A_267, %dma_wait3A_268] : memref<10240x128xf32, #tpu.memory_space<vmem_shared>> -> memref<10240x128xf32, #tpu.memory_space<vmem_shared>>
        tpu.wait_indirect_dma semaphore(%run_scoped3A_257 : memref<!tpu.dma_semaphore, #tpu.memory_space<semaphore_mem>>) src(%arg13 : memref<80x128xf32, #tpu.memory_space<vmem>>) dst(%dma_wait3A_269 : memref<10240x128xf32, #tpu.memory_space<vmem_shared>>)
        tpu.yield
      }) : () -> ()
      %add3A_129 = arith.constant 6 : i32
      %add3A_130 = arith.addi %add3A_122, %add3A_129 : i32
      %lt3A = arith.constant 126 : i32
      %lt3A_131 = arith.cmpi slt, %add3A_130, %lt3A : i32
      %convert_element_type3A_132 = arith.extui %lt3A_131 : i1 to i32
      %cond3A_133 = arith.constant 0 : i32
      %cond3A_134 = arith.cmpi ne, %convert_element_type3A_132, %cond3A_133 : i32
      scf.if %cond3A_134 {
        %add3A_257 = arith.constant 6 : i32
        %add3A_258 = arith.addi %add3A_122, %add3A_257 : i32
        %dma_start3A_259 = arith.constant 0 : i32
        %dma_start3A_260 = arith.constant 0 : i32
        %dma_start3A_261 = tpu.memref_slice %arg4[%arg1, %add3A_258, %dma_start3A_259, %dma_start3A_260] : memref<16x126x2x80xi32, #tpu.memory_space<hbm>> -> memref<1x1x2x80xi32, #tpu.memory_space<hbm>>
        %dma_start3A_262 = tpu.memref_squeeze %dma_start3A_261 : memref<1x1x2x80xi32, #tpu.memory_space<hbm>> -> memref<2x80xi32, #tpu.memory_space<hbm>>
        %dma_start3A_263 = arith.constant 0 : i32
        %dma_start3A_264 = arith.constant 0 : i32
        %dma_start3A_265 = tpu.memref_slice %arg4[%arg1, %add3A_258, %dma_start3A_263, %dma_start3A_264] : memref<16x126x2x80xi32, #tpu.memory_space<hbm>> -> memref<1x1x2x80xi32, #tpu.memory_space<hbm>>
        %dma_start3A_266 = tpu.memref_squeeze %dma_start3A_265 : memref<1x1x2x80xi32, #tpu.memory_space<hbm>> -> memref<2x80xi32, #tpu.memory_space<hbm>>
        tpu.enqueue_dma source(%dma_start3A_266 : memref<2x80xi32, #tpu.memory_space<hbm>>) target(%arg7 : memref<2x80xi32, #tpu.memory_space<vmem>>) target_semaphore(%arg17 : memref<!tpu.dma_semaphore, #tpu.memory_space<semaphore_mem>>)
      } else {
      }
      %add3A_135 = arith.constant 3 : i32
      %add3A_136 = arith.addi %add3A_122, %add3A_135 : i32
      %lt3A_137 = arith.constant 126 : i32
      %lt3A_138 = arith.cmpi slt, %add3A_136, %lt3A_137 : i32
      %convert_element_type3A_139 = arith.extui %lt3A_138 : i1 to i32
      %cond3A_140 = arith.constant 0 : i32
      %cond3A_141 = arith.cmpi ne, %convert_element_type3A_139, %cond3A_140 : i32
      scf.if %cond3A_141 {
        %dma_wait3A_257 = arith.constant 0 : i32
        %dma_wait3A_258 = arith.constant 0 : i32
        %dma_wait3A_259 = arith.constant 0 : i32
        %dma_wait3A_260 = arith.constant 0 : i32
        %dma_wait3A_261 = tpu.memref_slice %arg4[%dma_wait3A_257, %dma_wait3A_258, %dma_wait3A_259, %dma_wait3A_260] : memref<16x126x2x80xi32, #tpu.memory_space<hbm>> -> memref<1x1x2x80xi32, #tpu.memory_space<hbm>>
        %dma_wait3A_262 = tpu.memref_squeeze %dma_wait3A_261 : memref<1x1x2x80xi32, #tpu.memory_space<hbm>> -> memref<2x80xi32, #tpu.memory_space<hbm>>
        %dma_wait3A_263 = arith.constant 0 : i32
        %dma_wait3A_264 = arith.constant 0 : i32
        %dma_wait3A_265 = tpu.memref_slice %arg4[%dma_wait3A_257, %dma_wait3A_258, %dma_wait3A_263, %dma_wait3A_264] : memref<16x126x2x80xi32, #tpu.memory_space<hbm>> -> memref<1x1x2x80xi32, #tpu.memory_space<hbm>>
        %dma_wait3A_266 = tpu.memref_squeeze %dma_wait3A_265 : memref<1x1x2x80xi32, #tpu.memory_space<hbm>> -> memref<2x80xi32, #tpu.memory_space<hbm>>
        tpu.wait_dma2 semaphore(%arg20 : memref<!tpu.dma_semaphore, #tpu.memory_space<semaphore_mem>>) src(%dma_wait3A_266 : memref<2x80xi32, #tpu.memory_space<hbm>>) dst(%arg10 : memref<2x80xi32, #tpu.memory_space<vmem>>)
        %eq3A_267 = arith.constant 0 : i32
        %eq3A_268 = arith.cmpi eq, %arg0, %eq3A_267 : i32
        %convert_element_type3A_269 = arith.extui %eq3A_268 : i1 to i32
        %cond3A_270 = arith.constant 0 : i32
        %cond3A_271 = arith.cmpi ne, %convert_element_type3A_269, %cond3A_270 : i32
        scf.if %cond3A_271 {
          %dma_start3A_277 = arith.constant 0 : i32
          %dma_start3A_278 = arith.constant 0 : i32
          %dma_start3A_279 = tpu.memref_slice %arg10[%dma_start3A_277, %dma_start3A_278] : memref<2x80xi32, #tpu.memory_space<vmem>> -> memref<1x80xi32, #tpu.memory_space<vmem>>
          %dma_start3A_280 = tpu.memref_squeeze %dma_start3A_279 : memref<1x80xi32, #tpu.memory_space<vmem>> -> memref<80xi32, #tpu.memory_space<vmem>>
          %dma_start3A_281 = arith.constant 0 : i32
          %dma_start3A_282 = arith.constant 0 : i32
          %dma_start3A_283 = tpu.memref_slice %arg2[%dma_start3A_281, %dma_start3A_282] : memref<10000x128xf32, #tpu.memory_space<hbm>> -> memref<10000x128xf32, #tpu.memory_space<hbm>>
          tpu.enqueue_indirect_dma source(%dma_start3A_283 : memref<10000x128xf32, #tpu.memory_space<hbm>>) target(%arg13 : memref<80x128xf32, #tpu.memory_space<vmem>>) offsets(%dma_start3A_280 : memref<80xi32, #tpu.memory_space<vmem>>) semaphore(%arg23 : memref<!tpu.dma_semaphore, #tpu.memory_space<semaphore_mem>>)
        } else {
        }
        %eq3A_272 = arith.constant 1 : i32
        %eq3A_273 = arith.cmpi eq, %arg0, %eq3A_272 : i32
        %convert_element_type3A_274 = arith.extui %eq3A_273 : i1 to i32
        %cond3A_275 = arith.constant 0 : i32
        %cond3A_276 = arith.cmpi ne, %convert_element_type3A_274, %cond3A_275 : i32
        scf.if %cond3A_276 {
          %dma_start3A_277 = arith.constant 0 : i32
          %dma_start3A_278 = arith.constant 0 : i32
          %dma_start3A_279 = tpu.memref_slice %arg10[%dma_start3A_277, %dma_start3A_278] : memref<2x80xi32, #tpu.memory_space<vmem>> -> memref<1x80xi32, #tpu.memory_space<vmem>>
          %dma_start3A_280 = tpu.memref_squeeze %dma_start3A_279 : memref<1x80xi32, #tpu.memory_space<vmem>> -> memref<80xi32, #tpu.memory_space<vmem>>
          %dma_start3A_281 = arith.constant 0 : i32
          %dma_start3A_282 = arith.constant 0 : i32
          %dma_start3A_283 = tpu.memref_slice %arg3[%dma_start3A_281, %dma_start3A_282] : memref<10000x128xf32, #tpu.memory_space<hbm>> -> memref<10000x128xf32, #tpu.memory_space<hbm>>
          tpu.enqueue_indirect_dma source(%dma_start3A_283 : memref<10000x128xf32, #tpu.memory_space<hbm>>) target(%arg13 : memref<80x128xf32, #tpu.memory_space<vmem>>) offsets(%dma_start3A_280 : memref<80xi32, #tpu.memory_space<vmem>>) semaphore(%arg23 : memref<!tpu.dma_semaphore, #tpu.memory_space<semaphore_mem>>)
        } else {
        }
      } else {
      }
      %add3A_142 = arith.constant 1 : i32
      %add3A_143 = arith.addi %mul3A_120, %add3A_142 : i32
      %dma_wait3A_144 = arith.constant 0 : i32
      %dma_wait3A_145 = arith.constant 0 : i32
      %dma_wait3A_146 = tpu.memref_slice %arg2[%dma_wait3A_144, %dma_wait3A_145] : memref<10000x128xf32, #tpu.memory_space<hbm>> -> memref<80x128xf32, #tpu.memory_space<hbm>>
      %dma_wait3A_147 = arith.constant 0 : i32
      %dma_wait3A_148 = arith.constant 0 : i32
      %dma_wait3A_149 = tpu.memref_slice %arg2[%dma_wait3A_147, %dma_wait3A_148] : memref<10000x128xf32, #tpu.memory_space<hbm>> -> memref<80x128xf32, #tpu.memory_space<hbm>>
      tpu.wait_dma2 semaphore(%arg24 : memref<!tpu.dma_semaphore, #tpu.memory_space<semaphore_mem>>) src(%dma_wait3A_149 : memref<80x128xf32, #tpu.memory_space<hbm>>) dst(%arg14 : memref<80x128xf32, #tpu.memory_space<vmem>>)
      %run_scoped3A_150 = arith.constant 1 : i32
      "tpu.region"() ({
        %run_scoped3A_257 = tpu.sem_alloc : memref<!tpu.dma_semaphore, #tpu.memory_space<semaphore_mem>>
        %dma_start3A_258 = arith.constant 0 : i32
        %dma_start3A_259 = tpu.memref_slice %arg8[%run_scoped3A_150, %dma_start3A_258] : memref<2x80xi32, #tpu.memory_space<vmem>> -> memref<1x80xi32, #tpu.memory_space<vmem>>
        %dma_start3A_260 = tpu.memref_squeeze %dma_start3A_259 : memref<1x80xi32, #tpu.memory_space<vmem>> -> memref<80xi32, #tpu.memory_space<vmem>>
        %dma_start3A_261 = arith.constant 0 : i32
        %dma_start3A_262 = arith.constant 0 : i32
        %dma_start3A_263 = tpu.memref_slice %arg16[%dma_start3A_261, %dma_start3A_262] : memref<10240x128xf32, #tpu.memory_space<vmem_shared>> -> memref<10240x128xf32, #tpu.memory_space<vmem_shared>>
        tpu.enqueue_indirect_dma source(%arg14 : memref<80x128xf32, #tpu.memory_space<vmem>>) target(%dma_start3A_263 : memref<10240x128xf32, #tpu.memory_space<vmem_shared>>) offsets(%dma_start3A_260 : memref<80xi32, #tpu.memory_space<vmem>>) semaphore(%run_scoped3A_257 : memref<!tpu.dma_semaphore, #tpu.memory_space<semaphore_mem>>) {add = true}
        %dma_wait3A_264 = arith.constant 0 : i32
        %dma_wait3A_265 = tpu.memref_slice %arg8[%run_scoped3A_150, %dma_wait3A_264] : memref<2x80xi32, #tpu.memory_space<vmem>> -> memref<1x80xi32, #tpu.memory_space<vmem>>
        %dma_wait3A_266 = tpu.memref_squeeze %dma_wait3A_265 : memref<1x80xi32, #tpu.memory_space<vmem>> -> memref<80xi32, #tpu.memory_space<vmem>>
        %dma_wait3A_267 = arith.constant 0 : i32
        %dma_wait3A_268 = arith.constant 0 : i32
        %dma_wait3A_269 = tpu.memref_slice %arg16[%dma_wait3A_267, %dma_wait3A_268] : memref<10240x128xf32, #tpu.memory_space<vmem_shared>> -> memref<10240x128xf32, #tpu.memory_space<vmem_shared>>
        tpu.wait_indirect_dma semaphore(%run_scoped3A_257 : memref<!tpu.dma_semaphore, #tpu.memory_space<semaphore_mem>>) src(%arg14 : memref<80x128xf32, #tpu.memory_space<vmem>>) dst(%dma_wait3A_269 : memref<10240x128xf32, #tpu.memory_space<vmem_shared>>)
        tpu.yield
      }) : () -> ()
      %add3A_151 = arith.constant 6 : i32
      %add3A_152 = arith.addi %add3A_143, %add3A_151 : i32
      %lt3A_153 = arith.constant 126 : i32
      %lt3A_154 = arith.cmpi slt, %add3A_152, %lt3A_153 : i32
      %convert_element_type3A_155 = arith.extui %lt3A_154 : i1 to i32
      %cond3A_156 = arith.constant 0 : i32
      %cond3A_157 = arith.cmpi ne, %convert_element_type3A_155, %cond3A_156 : i32
      scf.if %cond3A_157 {
        %add3A_257 = arith.constant 6 : i32
        %add3A_258 = arith.addi %add3A_143, %add3A_257 : i32
        %dma_start3A_259 = arith.constant 0 : i32
        %dma_start3A_260 = arith.constant 0 : i32
        %dma_start3A_261 = tpu.memref_slice %arg4[%arg1, %add3A_258, %dma_start3A_259, %dma_start3A_260] : memref<16x126x2x80xi32, #tpu.memory_space<hbm>> -> memref<1x1x2x80xi32, #tpu.memory_space<hbm>>
        %dma_start3A_262 = tpu.memref_squeeze %dma_start3A_261 : memref<1x1x2x80xi32, #tpu.memory_space<hbm>> -> memref<2x80xi32, #tpu.memory_space<hbm>>
        %dma_start3A_263 = arith.constant 0 : i32
        %dma_start3A_264 = arith.constant 0 : i32
        %dma_start3A_265 = tpu.memref_slice %arg4[%arg1, %add3A_258, %dma_start3A_263, %dma_start3A_264] : memref<16x126x2x80xi32, #tpu.memory_space<hbm>> -> memref<1x1x2x80xi32, #tpu.memory_space<hbm>>
        %dma_start3A_266 = tpu.memref_squeeze %dma_start3A_265 : memref<1x1x2x80xi32, #tpu.memory_space<hbm>> -> memref<2x80xi32, #tpu.memory_space<hbm>>
        tpu.enqueue_dma source(%dma_start3A_266 : memref<2x80xi32, #tpu.memory_space<hbm>>) target(%arg8 : memref<2x80xi32, #tpu.memory_space<vmem>>) target_semaphore(%arg18 : memref<!tpu.dma_semaphore, #tpu.memory_space<semaphore_mem>>)
      } else {
      }
      %add3A_158 = arith.constant 3 : i32
      %add3A_159 = arith.addi %add3A_143, %add3A_158 : i32
      %lt3A_160 = arith.constant 126 : i32
      %lt3A_161 = arith.cmpi slt, %add3A_159, %lt3A_160 : i32
      %convert_element_type3A_162 = arith.extui %lt3A_161 : i1 to i32
      %cond3A_163 = arith.constant 0 : i32
      %cond3A_164 = arith.cmpi ne, %convert_element_type3A_162, %cond3A_163 : i32
      scf.if %cond3A_164 {
        %dma_wait3A_257 = arith.constant 0 : i32
        %dma_wait3A_258 = arith.constant 0 : i32
        %dma_wait3A_259 = arith.constant 0 : i32
        %dma_wait3A_260 = arith.constant 0 : i32
        %dma_wait3A_261 = tpu.memref_slice %arg4[%dma_wait3A_257, %dma_wait3A_258, %dma_wait3A_259, %dma_wait3A_260] : memref<16x126x2x80xi32, #tpu.memory_space<hbm>> -> memref<1x1x2x80xi32, #tpu.memory_space<hbm>>
        %dma_wait3A_262 = tpu.memref_squeeze %dma_wait3A_261 : memref<1x1x2x80xi32, #tpu.memory_space<hbm>> -> memref<2x80xi32, #tpu.memory_space<hbm>>
        %dma_wait3A_263 = arith.constant 0 : i32
        %dma_wait3A_264 = arith.constant 0 : i32
        %dma_wait3A_265 = tpu.memref_slice %arg4[%dma_wait3A_257, %dma_wait3A_258, %dma_wait3A_263, %dma_wait3A_264] : memref<16x126x2x80xi32, #tpu.memory_space<hbm>> -> memref<1x1x2x80xi32, #tpu.memory_space<hbm>>
        %dma_wait3A_266 = tpu.memref_squeeze %dma_wait3A_265 : memref<1x1x2x80xi32, #tpu.memory_space<hbm>> -> memref<2x80xi32, #tpu.memory_space<hbm>>
        tpu.wait_dma2 semaphore(%arg21 : memref<!tpu.dma_semaphore, #tpu.memory_space<semaphore_mem>>) src(%dma_wait3A_266 : memref<2x80xi32, #tpu.memory_space<hbm>>) dst(%arg11 : memref<2x80xi32, #tpu.memory_space<vmem>>)
        %eq3A_267 = arith.constant 0 : i32
        %eq3A_268 = arith.cmpi eq, %arg0, %eq3A_267 : i32
        %convert_element_type3A_269 = arith.extui %eq3A_268 : i1 to i32
        %cond3A_270 = arith.constant 0 : i32
        %cond3A_271 = arith.cmpi ne, %convert_element_type3A_269, %cond3A_270 : i32
        scf.if %cond3A_271 {
          %dma_start3A_277 = arith.constant 0 : i32
          %dma_start3A_278 = arith.constant 0 : i32
          %dma_start3A_279 = tpu.memref_slice %arg11[%dma_start3A_277, %dma_start3A_278] : memref<2x80xi32, #tpu.memory_space<vmem>> -> memref<1x80xi32, #tpu.memory_space<vmem>>
          %dma_start3A_280 = tpu.memref_squeeze %dma_start3A_279 : memref<1x80xi32, #tpu.memory_space<vmem>> -> memref<80xi32, #tpu.memory_space<vmem>>
          %dma_start3A_281 = arith.constant 0 : i32
          %dma_start3A_282 = arith.constant 0 : i32
          %dma_start3A_283 = tpu.memref_slice %arg2[%dma_start3A_281, %dma_start3A_282] : memref<10000x128xf32, #tpu.memory_space<hbm>> -> memref<10000x128xf32, #tpu.memory_space<hbm>>
          tpu.enqueue_indirect_dma source(%dma_start3A_283 : memref<10000x128xf32, #tpu.memory_space<hbm>>) target(%arg14 : memref<80x128xf32, #tpu.memory_space<vmem>>) offsets(%dma_start3A_280 : memref<80xi32, #tpu.memory_space<vmem>>) semaphore(%arg24 : memref<!tpu.dma_semaphore, #tpu.memory_space<semaphore_mem>>)
        } else {
        }
        %eq3A_272 = arith.constant 1 : i32
        %eq3A_273 = arith.cmpi eq, %arg0, %eq3A_272 : i32
        %convert_element_type3A_274 = arith.extui %eq3A_273 : i1 to i32
        %cond3A_275 = arith.constant 0 : i32
        %cond3A_276 = arith.cmpi ne, %convert_element_type3A_274, %cond3A_275 : i32
        scf.if %cond3A_276 {
          %dma_start3A_277 = arith.constant 0 : i32
          %dma_start3A_278 = arith.constant 0 : i32
          %dma_start3A_279 = tpu.memref_slice %arg11[%dma_start3A_277, %dma_start3A_278] : memref<2x80xi32, #tpu.memory_space<vmem>> -> memref<1x80xi32, #tpu.memory_space<vmem>>
          %dma_start3A_280 = tpu.memref_squeeze %dma_start3A_279 : memref<1x80xi32, #tpu.memory_space<vmem>> -> memref<80xi32, #tpu.memory_space<vmem>>
          %dma_start3A_281 = arith.constant 0 : i32
          %dma_start3A_282 = arith.constant 0 : i32
          %dma_start3A_283 = tpu.memref_slice %arg3[%dma_start3A_281, %dma_start3A_282] : memref<10000x128xf32, #tpu.memory_space<hbm>> -> memref<10000x128xf32, #tpu.memory_space<hbm>>
          tpu.enqueue_indirect_dma source(%dma_start3A_283 : memref<10000x128xf32, #tpu.memory_space<hbm>>) target(%arg14 : memref<80x128xf32, #tpu.memory_space<vmem>>) offsets(%dma_start3A_280 : memref<80xi32, #tpu.memory_space<vmem>>) semaphore(%arg24 : memref<!tpu.dma_semaphore, #tpu.memory_space<semaphore_mem>>)
        } else {
        }
      } else {
      }
      %add3A_165 = arith.constant 2 : i32
      %add3A_166 = arith.addi %mul3A_120, %add3A_165 : i32
      %dma_wait3A_167 = arith.constant 0 : i32
      %dma_wait3A_168 = arith.constant 0 : i32
      %dma_wait3A_169 = tpu.memref_slice %arg2[%dma_wait3A_167, %dma_wait3A_168] : memref<10000x128xf32, #tpu.memory_space<hbm>> -> memref<80x128xf32, #tpu.memory_space<hbm>>
      %dma_wait3A_170 = arith.constant 0 : i32
      %dma_wait3A_171 = arith.constant 0 : i32
      %dma_wait3A_172 = tpu.memref_slice %arg2[%dma_wait3A_170, %dma_wait3A_171] : memref<10000x128xf32, #tpu.memory_space<hbm>> -> memref<80x128xf32, #tpu.memory_space<hbm>>
      tpu.wait_dma2 semaphore(%arg25 : memref<!tpu.dma_semaphore, #tpu.memory_space<semaphore_mem>>) src(%dma_wait3A_172 : memref<80x128xf32, #tpu.memory_space<hbm>>) dst(%arg15 : memref<80x128xf32, #tpu.memory_space<vmem>>)
      %run_scoped3A_173 = arith.constant 1 : i32
      "tpu.region"() ({
        %run_scoped3A_257 = tpu.sem_alloc : memref<!tpu.dma_semaphore, #tpu.memory_space<semaphore_mem>>
        %dma_start3A_258 = arith.constant 0 : i32
        %dma_start3A_259 = tpu.memref_slice %arg9[%run_scoped3A_173, %dma_start3A_258] : memref<2x80xi32, #tpu.memory_space<vmem>> -> memref<1x80xi32, #tpu.memory_space<vmem>>
        %dma_start3A_260 = tpu.memref_squeeze %dma_start3A_259 : memref<1x80xi32, #tpu.memory_space<vmem>> -> memref<80xi32, #tpu.memory_space<vmem>>
        %dma_start3A_261 = arith.constant 0 : i32
        %dma_start3A_262 = arith.constant 0 : i32
        %dma_start3A_263 = tpu.memref_slice %arg16[%dma_start3A_261, %dma_start3A_262] : memref<10240x128xf32, #tpu.memory_space<vmem_shared>> -> memref<10240x128xf32, #tpu.memory_space<vmem_shared>>
        tpu.enqueue_indirect_dma source(%arg15 : memref<80x128xf32, #tpu.memory_space<vmem>>) target(%dma_start3A_263 : memref<10240x128xf32, #tpu.memory_space<vmem_shared>>) offsets(%dma_start3A_260 : memref<80xi32, #tpu.memory_space<vmem>>) semaphore(%run_scoped3A_257 : memref<!tpu.dma_semaphore, #tpu.memory_space<semaphore_mem>>) {add = true}
        %dma_wait3A_264 = arith.constant 0 : i32
        %dma_wait3A_265 = tpu.memref_slice %arg9[%run_scoped3A_173, %dma_wait3A_264] : memref<2x80xi32, #tpu.memory_space<vmem>> -> memref<1x80xi32, #tpu.memory_space<vmem>>
        %dma_wait3A_266 = tpu.memref_squeeze %dma_wait3A_265 : memref<1x80xi32, #tpu.memory_space<vmem>> -> memref<80xi32, #tpu.memory_space<vmem>>
        %dma_wait3A_267 = arith.constant 0 : i32
        %dma_wait3A_268 = arith.constant 0 : i32
        %dma_wait3A_269 = tpu.memref_slice %arg16[%dma_wait3A_267, %dma_wait3A_268] : memref<10240x128xf32, #tpu.memory_space<vmem_shared>> -> memref<10240x128xf32, #tpu.memory_space<vmem_shared>>
        tpu.wait_indirect_dma semaphore(%run_scoped3A_257 : memref<!tpu.dma_semaphore, #tpu.memory_space<semaphore_mem>>) src(%arg15 : memref<80x128xf32, #tpu.memory_space<vmem>>) dst(%dma_wait3A_269 : memref<10240x128xf32, #tpu.memory_space<vmem_shared>>)
        tpu.yield
      }) : () -> ()
      %add3A_174 = arith.constant 6 : i32
      %add3A_175 = arith.addi %add3A_166, %add3A_174 : i32
      %lt3A_176 = arith.constant 126 : i32
      %lt3A_177 = arith.cmpi slt, %add3A_175, %lt3A_176 : i32
      %convert_element_type3A_178 = arith.extui %lt3A_177 : i1 to i32
      %cond3A_179 = arith.constant 0 : i32
      %cond3A_180 = arith.cmpi ne, %convert_element_type3A_178, %cond3A_179 : i32
      scf.if %cond3A_180 {
        %add3A_257 = arith.constant 6 : i32
        %add3A_258 = arith.addi %add3A_166, %add3A_257 : i32
        %dma_start3A_259 = arith.constant 0 : i32
        %dma_start3A_260 = arith.constant 0 : i32
        %dma_start3A_261 = tpu.memref_slice %arg4[%arg1, %add3A_258, %dma_start3A_259, %dma_start3A_260] : memref<16x126x2x80xi32, #tpu.memory_space<hbm>> -> memref<1x1x2x80xi32, #tpu.memory_space<hbm>>
        %dma_start3A_262 = tpu.memref_squeeze %dma_start3A_261 : memref<1x1x2x80xi32, #tpu.memory_space<hbm>> -> memref<2x80xi32, #tpu.memory_space<hbm>>
        %dma_start3A_263 = arith.constant 0 : i32
        %dma_start3A_264 = arith.constant 0 : i32
        %dma_start3A_265 = tpu.memref_slice %arg4[%arg1, %add3A_258, %dma_start3A_263, %dma_start3A_264] : memref<16x126x2x80xi32, #tpu.memory_space<hbm>> -> memref<1x1x2x80xi32, #tpu.memory_space<hbm>>
        %dma_start3A_266 = tpu.memref_squeeze %dma_start3A_265 : memref<1x1x2x80xi32, #tpu.memory_space<hbm>> -> memref<2x80xi32, #tpu.memory_space<hbm>>
        tpu.enqueue_dma source(%dma_start3A_266 : memref<2x80xi32, #tpu.memory_space<hbm>>) target(%arg9 : memref<2x80xi32, #tpu.memory_space<vmem>>) target_semaphore(%arg19 : memref<!tpu.dma_semaphore, #tpu.memory_space<semaphore_mem>>)
      } else {
      }
      %add3A_181 = arith.constant 3 : i32
      %add3A_182 = arith.addi %add3A_166, %add3A_181 : i32
      %lt3A_183 = arith.constant 126 : i32
      %lt3A_184 = arith.cmpi slt, %add3A_182, %lt3A_183 : i32
      %convert_element_type3A_185 = arith.extui %lt3A_184 : i1 to i32
      %cond3A_186 = arith.constant 0 : i32
      %cond3A_187 = arith.cmpi ne, %convert_element_type3A_185, %cond3A_186 : i32
      scf.if %cond3A_187 {
        %dma_wait3A_257 = arith.constant 0 : i32
        %dma_wait3A_258 = arith.constant 0 : i32
        %dma_wait3A_259 = arith.constant 0 : i32
        %dma_wait3A_260 = arith.constant 0 : i32
        %dma_wait3A_261 = tpu.memref_slice %arg4[%dma_wait3A_257, %dma_wait3A_258, %dma_wait3A_259, %dma_wait3A_260] : memref<16x126x2x80xi32, #tpu.memory_space<hbm>> -> memref<1x1x2x80xi32, #tpu.memory_space<hbm>>
        %dma_wait3A_262 = tpu.memref_squeeze %dma_wait3A_261 : memref<1x1x2x80xi32, #tpu.memory_space<hbm>> -> memref<2x80xi32, #tpu.memory_space<hbm>>
        %dma_wait3A_263 = arith.constant 0 : i32
        %dma_wait3A_264 = arith.constant 0 : i32
        %dma_wait3A_265 = tpu.memref_slice %arg4[%dma_wait3A_257, %dma_wait3A_258, %dma_wait3A_263, %dma_wait3A_264] : memref<16x126x2x80xi32, #tpu.memory_space<hbm>> -> memref<1x1x2x80xi32, #tpu.memory_space<hbm>>
        %dma_wait3A_266 = tpu.memref_squeeze %dma_wait3A_265 : memref<1x1x2x80xi32, #tpu.memory_space<hbm>> -> memref<2x80xi32, #tpu.memory_space<hbm>>
        tpu.wait_dma2 semaphore(%arg22 : memref<!tpu.dma_semaphore, #tpu.memory_space<semaphore_mem>>) src(%dma_wait3A_266 : memref<2x80xi32, #tpu.memory_space<hbm>>) dst(%arg12 : memref<2x80xi32, #tpu.memory_space<vmem>>)
        %eq3A_267 = arith.constant 0 : i32
        %eq3A_268 = arith.cmpi eq, %arg0, %eq3A_267 : i32
        %convert_element_type3A_269 = arith.extui %eq3A_268 : i1 to i32
        %cond3A_270 = arith.constant 0 : i32
        %cond3A_271 = arith.cmpi ne, %convert_element_type3A_269, %cond3A_270 : i32
        scf.if %cond3A_271 {
          %dma_start3A_277 = arith.constant 0 : i32
          %dma_start3A_278 = arith.constant 0 : i32
          %dma_start3A_279 = tpu.memref_slice %arg12[%dma_start3A_277, %dma_start3A_278] : memref<2x80xi32, #tpu.memory_space<vmem>> -> memref<1x80xi32, #tpu.memory_space<vmem>>
          %dma_start3A_280 = tpu.memref_squeeze %dma_start3A_279 : memref<1x80xi32, #tpu.memory_space<vmem>> -> memref<80xi32, #tpu.memory_space<vmem>>
          %dma_start3A_281 = arith.constant 0 : i32
          %dma_start3A_282 = arith.constant 0 : i32
          %dma_start3A_283 = tpu.memref_slice %arg2[%dma_start3A_281, %dma_start3A_282] : memref<10000x128xf32, #tpu.memory_space<hbm>> -> memref<10000x128xf32, #tpu.memory_space<hbm>>
          tpu.enqueue_indirect_dma source(%dma_start3A_283 : memref<10000x128xf32, #tpu.memory_space<hbm>>) target(%arg15 : memref<80x128xf32, #tpu.memory_space<vmem>>) offsets(%dma_start3A_280 : memref<80xi32, #tpu.memory_space<vmem>>) semaphore(%arg25 : memref<!tpu.dma_semaphore, #tpu.memory_space<semaphore_mem>>)
        } else {
        }
        %eq3A_272 = arith.constant 1 : i32
        %eq3A_273 = arith.cmpi eq, %arg0, %eq3A_272 : i32
        %convert_element_type3A_274 = arith.extui %eq3A_273 : i1 to i32
        %cond3A_275 = arith.constant 0 : i32
        %cond3A_276 = arith.cmpi ne, %convert_element_type3A_274, %cond3A_275 : i32
        scf.if %cond3A_276 {
          %dma_start3A_277 = arith.constant 0 : i32
          %dma_start3A_278 = arith.constant 0 : i32
          %dma_start3A_279 = tpu.memref_slice %arg12[%dma_start3A_277, %dma_start3A_278] : memref<2x80xi32, #tpu.memory_space<vmem>> -> memref<1x80xi32, #tpu.memory_space<vmem>>
          %dma_start3A_280 = tpu.memref_squeeze %dma_start3A_279 : memref<1x80xi32, #tpu.memory_space<vmem>> -> memref<80xi32, #tpu.memory_space<vmem>>
          %dma_start3A_281 = arith.constant 0 : i32
          %dma_start3A_282 = arith.constant 0 : i32
          %dma_start3A_283 = tpu.memref_slice %arg3[%dma_start3A_281, %dma_start3A_282] : memref<10000x128xf32, #tpu.memory_space<hbm>> -> memref<10000x128xf32, #tpu.memory_space<hbm>>
          tpu.enqueue_indirect_dma source(%dma_start3A_283 : memref<10000x128xf32, #tpu.memory_space<hbm>>) target(%arg15 : memref<80x128xf32, #tpu.memory_space<vmem>>) offsets(%dma_start3A_280 : memref<80xi32, #tpu.memory_space<vmem>>) semaphore(%arg25 : memref<!tpu.dma_semaphore, #tpu.memory_space<semaphore_mem>>)
        } else {
        }
      } else {
      }
      %add3A_188 = arith.constant 3 : i32
      %add3A_189 = arith.addi %mul3A_120, %add3A_188 : i32
      %dma_wait3A_190 = arith.constant 0 : i32
      %dma_wait3A_191 = arith.constant 0 : i32
      %dma_wait3A_192 = tpu.memref_slice %arg2[%dma_wait3A_190, %dma_wait3A_191] : memref<10000x128xf32, #tpu.memory_space<hbm>> -> memref<80x128xf32, #tpu.memory_space<hbm>>
      %dma_wait3A_193 = arith.constant 0 : i32
      %dma_wait3A_194 = arith.constant 0 : i32
      %dma_wait3A_195 = tpu.memref_slice %arg2[%dma_wait3A_193, %dma_wait3A_194] : memref<10000x128xf32, #tpu.memory_space<hbm>> -> memref<80x128xf32, #tpu.memory_space<hbm>>
      tpu.wait_dma2 semaphore(%arg23 : memref<!tpu.dma_semaphore, #tpu.memory_space<semaphore_mem>>) src(%dma_wait3A_195 : memref<80x128xf32, #tpu.memory_space<hbm>>) dst(%arg13 : memref<80x128xf32, #tpu.memory_space<vmem>>)
      %run_scoped3A_196 = arith.constant 1 : i32
      "tpu.region"() ({
        %run_scoped3A_257 = tpu.sem_alloc : memref<!tpu.dma_semaphore, #tpu.memory_space<semaphore_mem>>
        %dma_start3A_258 = arith.constant 0 : i32
        %dma_start3A_259 = tpu.memref_slice %arg10[%run_scoped3A_196, %dma_start3A_258] : memref<2x80xi32, #tpu.memory_space<vmem>> -> memref<1x80xi32, #tpu.memory_space<vmem>>
        %dma_start3A_260 = tpu.memref_squeeze %dma_start3A_259 : memref<1x80xi32, #tpu.memory_space<vmem>> -> memref<80xi32, #tpu.memory_space<vmem>>
        %dma_start3A_261 = arith.constant 0 : i32
        %dma_start3A_262 = arith.constant 0 : i32
        %dma_start3A_263 = tpu.memref_slice %arg16[%dma_start3A_261, %dma_start3A_262] : memref<10240x128xf32, #tpu.memory_space<vmem_shared>> -> memref<10240x128xf32, #tpu.memory_space<vmem_shared>>
        tpu.enqueue_indirect_dma source(%arg13 : memref<80x128xf32, #tpu.memory_space<vmem>>) target(%dma_start3A_263 : memref<10240x128xf32, #tpu.memory_space<vmem_shared>>) offsets(%dma_start3A_260 : memref<80xi32, #tpu.memory_space<vmem>>) semaphore(%run_scoped3A_257 : memref<!tpu.dma_semaphore, #tpu.memory_space<semaphore_mem>>) {add = true}
        %dma_wait3A_264 = arith.constant 0 : i32
        %dma_wait3A_265 = tpu.memref_slice %arg10[%run_scoped3A_196, %dma_wait3A_264] : memref<2x80xi32, #tpu.memory_space<vmem>> -> memref<1x80xi32, #tpu.memory_space<vmem>>
        %dma_wait3A_266 = tpu.memref_squeeze %dma_wait3A_265 : memref<1x80xi32, #tpu.memory_space<vmem>> -> memref<80xi32, #tpu.memory_space<vmem>>
        %dma_wait3A_267 = arith.constant 0 : i32
        %dma_wait3A_268 = arith.constant 0 : i32
        %dma_wait3A_269 = tpu.memref_slice %arg16[%dma_wait3A_267, %dma_wait3A_268] : memref<10240x128xf32, #tpu.memory_space<vmem_shared>> -> memref<10240x128xf32, #tpu.memory_space<vmem_shared>>
        tpu.wait_indirect_dma semaphore(%run_scoped3A_257 : memref<!tpu.dma_semaphore, #tpu.memory_space<semaphore_mem>>) src(%arg13 : memref<80x128xf32, #tpu.memory_space<vmem>>) dst(%dma_wait3A_269 : memref<10240x128xf32, #tpu.memory_space<vmem_shared>>)
        tpu.yield
      }) : () -> ()
      %add3A_197 = arith.constant 6 : i32
      %add3A_198 = arith.addi %add3A_189, %add3A_197 : i32
      %lt3A_199 = arith.constant 126 : i32
      %lt3A_200 = arith.cmpi slt, %add3A_198, %lt3A_199 : i32
      %convert_element_type3A_201 = arith.extui %lt3A_200 : i1 to i32
      %cond3A_202 = arith.constant 0 : i32
      %cond3A_203 = arith.cmpi ne, %convert_element_type3A_201, %cond3A_202 : i32
      scf.if %cond3A_203 {
        %add3A_257 = arith.constant 6 : i32
        %add3A_258 = arith.addi %add3A_189, %add3A_257 : i32
        %dma_start3A_259 = arith.constant 0 : i32
        %dma_start3A_260 = arith.constant 0 : i32
        %dma_start3A_261 = tpu.memref_slice %arg4[%arg1, %add3A_258, %dma_start3A_259, %dma_start3A_260] : memref<16x126x2x80xi32, #tpu.memory_space<hbm>> -> memref<1x1x2x80xi32, #tpu.memory_space<hbm>>
        %dma_start3A_262 = tpu.memref_squeeze %dma_start3A_261 : memref<1x1x2x80xi32, #tpu.memory_space<hbm>> -> memref<2x80xi32, #tpu.memory_space<hbm>>
        %dma_start3A_263 = arith.constant 0 : i32
        %dma_start3A_264 = arith.constant 0 : i32
        %dma_start3A_265 = tpu.memref_slice %arg4[%arg1, %add3A_258, %dma_start3A_263, %dma_start3A_264] : memref<16x126x2x80xi32, #tpu.memory_space<hbm>> -> memref<1x1x2x80xi32, #tpu.memory_space<hbm>>
        %dma_start3A_266 = tpu.memref_squeeze %dma_start3A_265 : memref<1x1x2x80xi32, #tpu.memory_space<hbm>> -> memref<2x80xi32, #tpu.memory_space<hbm>>
        tpu.enqueue_dma source(%dma_start3A_266 : memref<2x80xi32, #tpu.memory_space<hbm>>) target(%arg10 : memref<2x80xi32, #tpu.memory_space<vmem>>) target_semaphore(%arg20 : memref<!tpu.dma_semaphore, #tpu.memory_space<semaphore_mem>>)
      } else {
      }
      %add3A_204 = arith.constant 3 : i32
      %add3A_205 = arith.addi %add3A_189, %add3A_204 : i32
      %lt3A_206 = arith.constant 126 : i32
      %lt3A_207 = arith.cmpi slt, %add3A_205, %lt3A_206 : i32
      %convert_element_type3A_208 = arith.extui %lt3A_207 : i1 to i32
      %cond3A_209 = arith.constant 0 : i32
      %cond3A_210 = arith.cmpi ne, %convert_element_type3A_208, %cond3A_209 : i32
      scf.if %cond3A_210 {
        %dma_wait3A_257 = arith.constant 0 : i32
        %dma_wait3A_258 = arith.constant 0 : i32
        %dma_wait3A_259 = arith.constant 0 : i32
        %dma_wait3A_260 = arith.constant 0 : i32
        %dma_wait3A_261 = tpu.memref_slice %arg4[%dma_wait3A_257, %dma_wait3A_258, %dma_wait3A_259, %dma_wait3A_260] : memref<16x126x2x80xi32, #tpu.memory_space<hbm>> -> memref<1x1x2x80xi32, #tpu.memory_space<hbm>>
        %dma_wait3A_262 = tpu.memref_squeeze %dma_wait3A_261 : memref<1x1x2x80xi32, #tpu.memory_space<hbm>> -> memref<2x80xi32, #tpu.memory_space<hbm>>
        %dma_wait3A_263 = arith.constant 0 : i32
        %dma_wait3A_264 = arith.constant 0 : i32
        %dma_wait3A_265 = tpu.memref_slice %arg4[%dma_wait3A_257, %dma_wait3A_258, %dma_wait3A_263, %dma_wait3A_264] : memref<16x126x2x80xi32, #tpu.memory_space<hbm>> -> memref<1x1x2x80xi32, #tpu.memory_space<hbm>>
        %dma_wait3A_266 = tpu.memref_squeeze %dma_wait3A_265 : memref<1x1x2x80xi32, #tpu.memory_space<hbm>> -> memref<2x80xi32, #tpu.memory_space<hbm>>
        tpu.wait_dma2 semaphore(%arg17 : memref<!tpu.dma_semaphore, #tpu.memory_space<semaphore_mem>>) src(%dma_wait3A_266 : memref<2x80xi32, #tpu.memory_space<hbm>>) dst(%arg7 : memref<2x80xi32, #tpu.memory_space<vmem>>)
        %eq3A_267 = arith.constant 0 : i32
        %eq3A_268 = arith.cmpi eq, %arg0, %eq3A_267 : i32
        %convert_element_type3A_269 = arith.extui %eq3A_268 : i1 to i32
        %cond3A_270 = arith.constant 0 : i32
        %cond3A_271 = arith.cmpi ne, %convert_element_type3A_269, %cond3A_270 : i32
        scf.if %cond3A_271 {
          %dma_start3A_277 = arith.constant 0 : i32
          %dma_start3A_278 = arith.constant 0 : i32
          %dma_start3A_279 = tpu.memref_slice %arg7[%dma_start3A_277, %dma_start3A_278] : memref<2x80xi32, #tpu.memory_space<vmem>> -> memref<1x80xi32, #tpu.memory_space<vmem>>
          %dma_start3A_280 = tpu.memref_squeeze %dma_start3A_279 : memref<1x80xi32, #tpu.memory_space<vmem>> -> memref<80xi32, #tpu.memory_space<vmem>>
          %dma_start3A_281 = arith.constant 0 : i32
          %dma_start3A_282 = arith.constant 0 : i32
          %dma_start3A_283 = tpu.memref_slice %arg2[%dma_start3A_281, %dma_start3A_282] : memref<10000x128xf32, #tpu.memory_space<hbm>> -> memref<10000x128xf32, #tpu.memory_space<hbm>>
          tpu.enqueue_indirect_dma source(%dma_start3A_283 : memref<10000x128xf32, #tpu.memory_space<hbm>>) target(%arg13 : memref<80x128xf32, #tpu.memory_space<vmem>>) offsets(%dma_start3A_280 : memref<80xi32, #tpu.memory_space<vmem>>) semaphore(%arg23 : memref<!tpu.dma_semaphore, #tpu.memory_space<semaphore_mem>>)
        } else {
        }
        %eq3A_272 = arith.constant 1 : i32
        %eq3A_273 = arith.cmpi eq, %arg0, %eq3A_272 : i32
        %convert_element_type3A_274 = arith.extui %eq3A_273 : i1 to i32
        %cond3A_275 = arith.constant 0 : i32
        %cond3A_276 = arith.cmpi ne, %convert_element_type3A_274, %cond3A_275 : i32
        scf.if %cond3A_276 {
          %dma_start3A_277 = arith.constant 0 : i32
          %dma_start3A_278 = arith.constant 0 : i32
          %dma_start3A_279 = tpu.memref_slice %arg7[%dma_start3A_277, %dma_start3A_278] : memref<2x80xi32, #tpu.memory_space<vmem>> -> memref<1x80xi32, #tpu.memory_space<vmem>>
          %dma_start3A_280 = tpu.memref_squeeze %dma_start3A_279 : memref<1x80xi32, #tpu.memory_space<vmem>> -> memref<80xi32, #tpu.memory_space<vmem>>
          %dma_start3A_281 = arith.constant 0 : i32
          %dma_start3A_282 = arith.constant 0 : i32
          %dma_start3A_283 = tpu.memref_slice %arg3[%dma_start3A_281, %dma_start3A_282] : memref<10000x128xf32, #tpu.memory_space<hbm>> -> memref<10000x128xf32, #tpu.memory_space<hbm>>
          tpu.enqueue_indirect_dma source(%dma_start3A_283 : memref<10000x128xf32, #tpu.memory_space<hbm>>) target(%arg13 : memref<80x128xf32, #tpu.memory_space<vmem>>) offsets(%dma_start3A_280 : memref<80xi32, #tpu.memory_space<vmem>>) semaphore(%arg23 : memref<!tpu.dma_semaphore, #tpu.memory_space<semaphore_mem>>)
        } else {
        }
      } else {
      }
      %add3A_211 = arith.constant 4 : i32
      %add3A_212 = arith.addi %mul3A_120, %add3A_211 : i32
      %dma_wait3A_213 = arith.constant 0 : i32
      %dma_wait3A_214 = arith.constant 0 : i32
      %dma_wait3A_215 = tpu.memref_slice %arg2[%dma_wait3A_213, %dma_wait3A_214] : memref<10000x128xf32, #tpu.memory_space<hbm>> -> memref<80x128xf32, #tpu.memory_space<hbm>>
      %dma_wait3A_216 = arith.constant 0 : i32
      %dma_wait3A_217 = arith.constant 0 : i32
      %dma_wait3A_218 = tpu.memref_slice %arg2[%dma_wait3A_216, %dma_wait3A_217] : memref<10000x128xf32, #tpu.memory_space<hbm>> -> memref<80x128xf32, #tpu.memory_space<hbm>>
      tpu.wait_dma2 semaphore(%arg24 : memref<!tpu.dma_semaphore, #tpu.memory_space<semaphore_mem>>) src(%dma_wait3A_218 : memref<80x128xf32, #tpu.memory_space<hbm>>) dst(%arg14 : memref<80x128xf32, #tpu.memory_space<vmem>>)
      %run_scoped3A_219 = arith.constant 1 : i32
      "tpu.region"() ({
        %run_scoped3A_257 = tpu.sem_alloc : memref<!tpu.dma_semaphore, #tpu.memory_space<semaphore_mem>>
        %dma_start3A_258 = arith.constant 0 : i32
        %dma_start3A_259 = tpu.memref_slice %arg11[%run_scoped3A_219, %dma_start3A_258] : memref<2x80xi32, #tpu.memory_space<vmem>> -> memref<1x80xi32, #tpu.memory_space<vmem>>
        %dma_start3A_260 = tpu.memref_squeeze %dma_start3A_259 : memref<1x80xi32, #tpu.memory_space<vmem>> -> memref<80xi32, #tpu.memory_space<vmem>>
        %dma_start3A_261 = arith.constant 0 : i32
        %dma_start3A_262 = arith.constant 0 : i32
        %dma_start3A_263 = tpu.memref_slice %arg16[%dma_start3A_261, %dma_start3A_262] : memref<10240x128xf32, #tpu.memory_space<vmem_shared>> -> memref<10240x128xf32, #tpu.memory_space<vmem_shared>>
        tpu.enqueue_indirect_dma source(%arg14 : memref<80x128xf32, #tpu.memory_space<vmem>>) target(%dma_start3A_263 : memref<10240x128xf32, #tpu.memory_space<vmem_shared>>) offsets(%dma_start3A_260 : memref<80xi32, #tpu.memory_space<vmem>>) semaphore(%run_scoped3A_257 : memref<!tpu.dma_semaphore, #tpu.memory_space<semaphore_mem>>) {add = true}
        %dma_wait3A_264 = arith.constant 0 : i32
        %dma_wait3A_265 = tpu.memref_slice %arg11[%run_scoped3A_219, %dma_wait3A_264] : memref<2x80xi32, #tpu.memory_space<vmem>> -> memref<1x80xi32, #tpu.memory_space<vmem>>
        %dma_wait3A_266 = tpu.memref_squeeze %dma_wait3A_265 : memref<1x80xi32, #tpu.memory_space<vmem>> -> memref<80xi32, #tpu.memory_space<vmem>>
        %dma_wait3A_267 = arith.constant 0 : i32
        %dma_wait3A_268 = arith.constant 0 : i32
        %dma_wait3A_269 = tpu.memref_slice %arg16[%dma_wait3A_267, %dma_wait3A_268] : memref<10240x128xf32, #tpu.memory_space<vmem_shared>> -> memref<10240x128xf32, #tpu.memory_space<vmem_shared>>
        tpu.wait_indirect_dma semaphore(%run_scoped3A_257 : memref<!tpu.dma_semaphore, #tpu.memory_space<semaphore_mem>>) src(%arg14 : memref<80x128xf32, #tpu.memory_space<vmem>>) dst(%dma_wait3A_269 : memref<10240x128xf32, #tpu.memory_space<vmem_shared>>)
        tpu.yield
      }) : () -> ()
      %add3A_220 = arith.constant 6 : i32
      %add3A_221 = arith.addi %add3A_212, %add3A_220 : i32
      %lt3A_222 = arith.constant 126 : i32
      %lt3A_223 = arith.cmpi slt, %add3A_221, %lt3A_222 : i32
      %convert_element_type3A_224 = arith.extui %lt3A_223 : i1 to i32
      %cond3A_225 = arith.constant 0 : i32
      %cond3A_226 = arith.cmpi ne, %convert_element_type3A_224, %cond3A_225 : i32
      scf.if %cond3A_226 {
        %add3A_257 = arith.constant 6 : i32
        %add3A_258 = arith.addi %add3A_212, %add3A_257 : i32
        %dma_start3A_259 = arith.constant 0 : i32
        %dma_start3A_260 = arith.constant 0 : i32
        %dma_start3A_261 = tpu.memref_slice %arg4[%arg1, %add3A_258, %dma_start3A_259, %dma_start3A_260] : memref<16x126x2x80xi32, #tpu.memory_space<hbm>> -> memref<1x1x2x80xi32, #tpu.memory_space<hbm>>
        %dma_start3A_262 = tpu.memref_squeeze %dma_start3A_261 : memref<1x1x2x80xi32, #tpu.memory_space<hbm>> -> memref<2x80xi32, #tpu.memory_space<hbm>>
        %dma_start3A_263 = arith.constant 0 : i32
        %dma_start3A_264 = arith.constant 0 : i32
        %dma_start3A_265 = tpu.memref_slice %arg4[%arg1, %add3A_258, %dma_start3A_263, %dma_start3A_264] : memref<16x126x2x80xi32, #tpu.memory_space<hbm>> -> memref<1x1x2x80xi32, #tpu.memory_space<hbm>>
        %dma_start3A_266 = tpu.memref_squeeze %dma_start3A_265 : memref<1x1x2x80xi32, #tpu.memory_space<hbm>> -> memref<2x80xi32, #tpu.memory_space<hbm>>
        tpu.enqueue_dma source(%dma_start3A_266 : memref<2x80xi32, #tpu.memory_space<hbm>>) target(%arg11 : memref<2x80xi32, #tpu.memory_space<vmem>>) target_semaphore(%arg21 : memref<!tpu.dma_semaphore, #tpu.memory_space<semaphore_mem>>)
      } else {
      }
      %add3A_227 = arith.constant 3 : i32
      %add3A_228 = arith.addi %add3A_212, %add3A_227 : i32
      %lt3A_229 = arith.constant 126 : i32
      %lt3A_230 = arith.cmpi slt, %add3A_228, %lt3A_229 : i32
      %convert_element_type3A_231 = arith.extui %lt3A_230 : i1 to i32
      %cond3A_232 = arith.constant 0 : i32
      %cond3A_233 = arith.cmpi ne, %convert_element_type3A_231, %cond3A_232 : i32
      scf.if %cond3A_233 {
        %dma_wait3A_257 = arith.constant 0 : i32
        %dma_wait3A_258 = arith.constant 0 : i32
        %dma_wait3A_259 = arith.constant 0 : i32
        %dma_wait3A_260 = arith.constant 0 : i32
        %dma_wait3A_261 = tpu.memref_slice %arg4[%dma_wait3A_257, %dma_wait3A_258, %dma_wait3A_259, %dma_wait3A_260] : memref<16x126x2x80xi32, #tpu.memory_space<hbm>> -> memref<1x1x2x80xi32, #tpu.memory_space<hbm>>
        %dma_wait3A_262 = tpu.memref_squeeze %dma_wait3A_261 : memref<1x1x2x80xi32, #tpu.memory_space<hbm>> -> memref<2x80xi32, #tpu.memory_space<hbm>>
        %dma_wait3A_263 = arith.constant 0 : i32
        %dma_wait3A_264 = arith.constant 0 : i32
        %dma_wait3A_265 = tpu.memref_slice %arg4[%dma_wait3A_257, %dma_wait3A_258, %dma_wait3A_263, %dma_wait3A_264] : memref<16x126x2x80xi32, #tpu.memory_space<hbm>> -> memref<1x1x2x80xi32, #tpu.memory_space<hbm>>
        %dma_wait3A_266 = tpu.memref_squeeze %dma_wait3A_265 : memref<1x1x2x80xi32, #tpu.memory_space<hbm>> -> memref<2x80xi32, #tpu.memory_space<hbm>>
        tpu.wait_dma2 semaphore(%arg18 : memref<!tpu.dma_semaphore, #tpu.memory_space<semaphore_mem>>) src(%dma_wait3A_266 : memref<2x80xi32, #tpu.memory_space<hbm>>) dst(%arg8 : memref<2x80xi32, #tpu.memory_space<vmem>>)
        %eq3A_267 = arith.constant 0 : i32
        %eq3A_268 = arith.cmpi eq, %arg0, %eq3A_267 : i32
        %convert_element_type3A_269 = arith.extui %eq3A_268 : i1 to i32
        %cond3A_270 = arith.constant 0 : i32
        %cond3A_271 = arith.cmpi ne, %convert_element_type3A_269, %cond3A_270 : i32
        scf.if %cond3A_271 {
          %dma_start3A_277 = arith.constant 0 : i32
          %dma_start3A_278 = arith.constant 0 : i32
          %dma_start3A_279 = tpu.memref_slice %arg8[%dma_start3A_277, %dma_start3A_278] : memref<2x80xi32, #tpu.memory_space<vmem>> -> memref<1x80xi32, #tpu.memory_space<vmem>>
          %dma_start3A_280 = tpu.memref_squeeze %dma_start3A_279 : memref<1x80xi32, #tpu.memory_space<vmem>> -> memref<80xi32, #tpu.memory_space<vmem>>
          %dma_start3A_281 = arith.constant 0 : i32
          %dma_start3A_282 = arith.constant 0 : i32
          %dma_start3A_283 = tpu.memref_slice %arg2[%dma_start3A_281, %dma_start3A_282] : memref<10000x128xf32, #tpu.memory_space<hbm>> -> memref<10000x128xf32, #tpu.memory_space<hbm>>
          tpu.enqueue_indirect_dma source(%dma_start3A_283 : memref<10000x128xf32, #tpu.memory_space<hbm>>) target(%arg14 : memref<80x128xf32, #tpu.memory_space<vmem>>) offsets(%dma_start3A_280 : memref<80xi32, #tpu.memory_space<vmem>>) semaphore(%arg24 : memref<!tpu.dma_semaphore, #tpu.memory_space<semaphore_mem>>)
        } else {
        }
        %eq3A_272 = arith.constant 1 : i32
        %eq3A_273 = arith.cmpi eq, %arg0, %eq3A_272 : i32
        %convert_element_type3A_274 = arith.extui %eq3A_273 : i1 to i32
        %cond3A_275 = arith.constant 0 : i32
        %cond3A_276 = arith.cmpi ne, %convert_element_type3A_274, %cond3A_275 : i32
        scf.if %cond3A_276 {
          %dma_start3A_277 = arith.constant 0 : i32
          %dma_start3A_278 = arith.constant 0 : i32
          %dma_start3A_279 = tpu.memref_slice %arg8[%dma_start3A_277, %dma_start3A_278] : memref<2x80xi32, #tpu.memory_space<vmem>> -> memref<1x80xi32, #tpu.memory_space<vmem>>
          %dma_start3A_280 = tpu.memref_squeeze %dma_start3A_279 : memref<1x80xi32, #tpu.memory_space<vmem>> -> memref<80xi32, #tpu.memory_space<vmem>>
          %dma_start3A_281 = arith.constant 0 : i32
          %dma_start3A_282 = arith.constant 0 : i32
          %dma_start3A_283 = tpu.memref_slice %arg3[%dma_start3A_281, %dma_start3A_282] : memref<10000x128xf32, #tpu.memory_space<hbm>> -> memref<10000x128xf32, #tpu.memory_space<hbm>>
          tpu.enqueue_indirect_dma source(%dma_start3A_283 : memref<10000x128xf32, #tpu.memory_space<hbm>>) target(%arg14 : memref<80x128xf32, #tpu.memory_space<vmem>>) offsets(%dma_start3A_280 : memref<80xi32, #tpu.memory_space<vmem>>) semaphore(%arg24 : memref<!tpu.dma_semaphore, #tpu.memory_space<semaphore_mem>>)
        } else {
        }
      } else {
      }
      %add3A_234 = arith.constant 5 : i32
      %add3A_235 = arith.addi %mul3A_120, %add3A_234 : i32
      %dma_wait3A_236 = arith.constant 0 : i32
      %dma_wait3A_237 = arith.constant 0 : i32
      %dma_wait3A_238 = tpu.memref_slice %arg2[%dma_wait3A_236, %dma_wait3A_237] : memref<10000x128xf32, #tpu.memory_space<hbm>> -> memref<80x128xf32, #tpu.memory_space<hbm>>
      %dma_wait3A_239 = arith.constant 0 : i32
      %dma_wait3A_240 = arith.constant 0 : i32
      %dma_wait3A_241 = tpu.memref_slice %arg2[%dma_wait3A_239, %dma_wait3A_240] : memref<10000x128xf32, #tpu.memory_space<hbm>> -> memref<80x128xf32, #tpu.memory_space<hbm>>
      tpu.wait_dma2 semaphore(%arg25 : memref<!tpu.dma_semaphore, #tpu.memory_space<semaphore_mem>>) src(%dma_wait3A_241 : memref<80x128xf32, #tpu.memory_space<hbm>>) dst(%arg15 : memref<80x128xf32, #tpu.memory_space<vmem>>)
      %run_scoped3A_242 = arith.constant 1 : i32
      "tpu.region"() ({
        %run_scoped3A_257 = tpu.sem_alloc : memref<!tpu.dma_semaphore, #tpu.memory_space<semaphore_mem>>
        %dma_start3A_258 = arith.constant 0 : i32
        %dma_start3A_259 = tpu.memref_slice %arg12[%run_scoped3A_242, %dma_start3A_258] : memref<2x80xi32, #tpu.memory_space<vmem>> -> memref<1x80xi32, #tpu.memory_space<vmem>>
        %dma_start3A_260 = tpu.memref_squeeze %dma_start3A_259 : memref<1x80xi32, #tpu.memory_space<vmem>> -> memref<80xi32, #tpu.memory_space<vmem>>
        %dma_start3A_261 = arith.constant 0 : i32
        %dma_start3A_262 = arith.constant 0 : i32
        %dma_start3A_263 = tpu.memref_slice %arg16[%dma_start3A_261, %dma_start3A_262] : memref<10240x128xf32, #tpu.memory_space<vmem_shared>> -> memref<10240x128xf32, #tpu.memory_space<vmem_shared>>
        tpu.enqueue_indirect_dma source(%arg15 : memref<80x128xf32, #tpu.memory_space<vmem>>) target(%dma_start3A_263 : memref<10240x128xf32, #tpu.memory_space<vmem_shared>>) offsets(%dma_start3A_260 : memref<80xi32, #tpu.memory_space<vmem>>) semaphore(%run_scoped3A_257 : memref<!tpu.dma_semaphore, #tpu.memory_space<semaphore_mem>>) {add = true}
        %dma_wait3A_264 = arith.constant 0 : i32
        %dma_wait3A_265 = tpu.memref_slice %arg12[%run_scoped3A_242, %dma_wait3A_264] : memref<2x80xi32, #tpu.memory_space<vmem>> -> memref<1x80xi32, #tpu.memory_space<vmem>>
        %dma_wait3A_266 = tpu.memref_squeeze %dma_wait3A_265 : memref<1x80xi32, #tpu.memory_space<vmem>> -> memref<80xi32, #tpu.memory_space<vmem>>
        %dma_wait3A_267 = arith.constant 0 : i32
        %dma_wait3A_268 = arith.constant 0 : i32
        %dma_wait3A_269 = tpu.memref_slice %arg16[%dma_wait3A_267, %dma_wait3A_268] : memref<10240x128xf32, #tpu.memory_space<vmem_shared>> -> memref<10240x128xf32, #tpu.memory_space<vmem_shared>>
        tpu.wait_indirect_dma semaphore(%run_scoped3A_257 : memref<!tpu.dma_semaphore, #tpu.memory_space<semaphore_mem>>) src(%arg15 : memref<80x128xf32, #tpu.memory_space<vmem>>) dst(%dma_wait3A_269 : memref<10240x128xf32, #tpu.memory_space<vmem_shared>>)
        tpu.yield
      }) : () -> ()
      %add3A_243 = arith.constant 6 : i32
      %add3A_244 = arith.addi %add3A_235, %add3A_243 : i32
      %lt3A_245 = arith.constant 126 : i32
      %lt3A_246 = arith.cmpi slt, %add3A_244, %lt3A_245 : i32
      %convert_element_type3A_247 = arith.extui %lt3A_246 : i1 to i32
      %cond3A_248 = arith.constant 0 : i32
      %cond3A_249 = arith.cmpi ne, %convert_element_type3A_247, %cond3A_248 : i32
      scf.if %cond3A_249 {
        %add3A_257 = arith.constant 6 : i32
        %add3A_258 = arith.addi %add3A_235, %add3A_257 : i32
        %dma_start3A_259 = arith.constant 0 : i32
        %dma_start3A_260 = arith.constant 0 : i32
        %dma_start3A_261 = tpu.memref_slice %arg4[%arg1, %add3A_258, %dma_start3A_259, %dma_start3A_260] : memref<16x126x2x80xi32, #tpu.memory_space<hbm>> -> memref<1x1x2x80xi32, #tpu.memory_space<hbm>>
        %dma_start3A_262 = tpu.memref_squeeze %dma_start3A_261 : memref<1x1x2x80xi32, #tpu.memory_space<hbm>> -> memref<2x80xi32, #tpu.memory_space<hbm>>
        %dma_start3A_263 = arith.constant 0 : i32
        %dma_start3A_264 = arith.constant 0 : i32
        %dma_start3A_265 = tpu.memref_slice %arg4[%arg1, %add3A_258, %dma_start3A_263, %dma_start3A_264] : memref<16x126x2x80xi32, #tpu.memory_space<hbm>> -> memref<1x1x2x80xi32, #tpu.memory_space<hbm>>
        %dma_start3A_266 = tpu.memref_squeeze %dma_start3A_265 : memref<1x1x2x80xi32, #tpu.memory_space<hbm>> -> memref<2x80xi32, #tpu.memory_space<hbm>>
        tpu.enqueue_dma source(%dma_start3A_266 : memref<2x80xi32, #tpu.memory_space<hbm>>) target(%arg12 : memref<2x80xi32, #tpu.memory_space<vmem>>) target_semaphore(%arg22 : memref<!tpu.dma_semaphore, #tpu.memory_space<semaphore_mem>>)
      } else {
      }
      %add3A_250 = arith.constant 3 : i32
      %add3A_251 = arith.addi %add3A_235, %add3A_250 : i32
      %lt3A_252 = arith.constant 126 : i32
      %lt3A_253 = arith.cmpi slt, %add3A_251, %lt3A_252 : i32
      %convert_element_type3A_254 = arith.extui %lt3A_253 : i1 to i32
      %cond3A_255 = arith.constant 0 : i32
      %cond3A_256 = arith.cmpi ne, %convert_element_type3A_254, %cond3A_255 : i32
      scf.if %cond3A_256 {
        %dma_wait3A_257 = arith.constant 0 : i32
        %dma_wait3A_258 = arith.constant 0 : i32
        %dma_wait3A_259 = arith.constant 0 : i32
        %dma_wait3A_260 = arith.constant 0 : i32
        %dma_wait3A_261 = tpu.memref_slice %arg4[%dma_wait3A_257, %dma_wait3A_258, %dma_wait3A_259, %dma_wait3A_260] : memref<16x126x2x80xi32, #tpu.memory_space<hbm>> -> memref<1x1x2x80xi32, #tpu.memory_space<hbm>>
        %dma_wait3A_262 = tpu.memref_squeeze %dma_wait3A_261 : memref<1x1x2x80xi32, #tpu.memory_space<hbm>> -> memref<2x80xi32, #tpu.memory_space<hbm>>
        %dma_wait3A_263 = arith.constant 0 : i32
        %dma_wait3A_264 = arith.constant 0 : i32
        %dma_wait3A_265 = tpu.memref_slice %arg4[%dma_wait3A_257, %dma_wait3A_258, %dma_wait3A_263, %dma_wait3A_264] : memref<16x126x2x80xi32, #tpu.memory_space<hbm>> -> memref<1x1x2x80xi32, #tpu.memory_space<hbm>>
        %dma_wait3A_266 = tpu.memref_squeeze %dma_wait3A_265 : memref<1x1x2x80xi32, #tpu.memory_space<hbm>> -> memref<2x80xi32, #tpu.memory_space<hbm>>
        tpu.wait_dma2 semaphore(%arg19 : memref<!tpu.dma_semaphore, #tpu.memory_space<semaphore_mem>>) src(%dma_wait3A_266 : memref<2x80xi32, #tpu.memory_space<hbm>>) dst(%arg9 : memref<2x80xi32, #tpu.memory_space<vmem>>)
        %eq3A_267 = arith.constant 0 : i32
        %eq3A_268 = arith.cmpi eq, %arg0, %eq3A_267 : i32
        %convert_element_type3A_269 = arith.extui %eq3A_268 : i1 to i32
        %cond3A_270 = arith.constant 0 : i32
        %cond3A_271 = arith.cmpi ne, %convert_element_type3A_269, %cond3A_270 : i32
        scf.if %cond3A_271 {
          %dma_start3A_277 = arith.constant 0 : i32
          %dma_start3A_278 = arith.constant 0 : i32
          %dma_start3A_279 = tpu.memref_slice %arg9[%dma_start3A_277, %dma_start3A_278] : memref<2x80xi32, #tpu.memory_space<vmem>> -> memref<1x80xi32, #tpu.memory_space<vmem>>
          %dma_start3A_280 = tpu.memref_squeeze %dma_start3A_279 : memref<1x80xi32, #tpu.memory_space<vmem>> -> memref<80xi32, #tpu.memory_space<vmem>>
          %dma_start3A_281 = arith.constant 0 : i32
          %dma_start3A_282 = arith.constant 0 : i32
          %dma_start3A_283 = tpu.memref_slice %arg2[%dma_start3A_281, %dma_start3A_282] : memref<10000x128xf32, #tpu.memory_space<hbm>> -> memref<10000x128xf32, #tpu.memory_space<hbm>>
          tpu.enqueue_indirect_dma source(%dma_start3A_283 : memref<10000x128xf32, #tpu.memory_space<hbm>>) target(%arg15 : memref<80x128xf32, #tpu.memory_space<vmem>>) offsets(%dma_start3A_280 : memref<80xi32, #tpu.memory_space<vmem>>) semaphore(%arg25 : memref<!tpu.dma_semaphore, #tpu.memory_space<semaphore_mem>>)
        } else {
        }
        %eq3A_272 = arith.constant 1 : i32
        %eq3A_273 = arith.cmpi eq, %arg0, %eq3A_272 : i32
        %convert_element_type3A_274 = arith.extui %eq3A_273 : i1 to i32
        %cond3A_275 = arith.constant 0 : i32
        %cond3A_276 = arith.cmpi ne, %convert_element_type3A_274, %cond3A_275 : i32
        scf.if %cond3A_276 {
          %dma_start3A_277 = arith.constant 0 : i32
          %dma_start3A_278 = arith.constant 0 : i32
          %dma_start3A_279 = tpu.memref_slice %arg9[%dma_start3A_277, %dma_start3A_278] : memref<2x80xi32, #tpu.memory_space<vmem>> -> memref<1x80xi32, #tpu.memory_space<vmem>>
          %dma_start3A_280 = tpu.memref_squeeze %dma_start3A_279 : memref<1x80xi32, #tpu.memory_space<vmem>> -> memref<80xi32, #tpu.memory_space<vmem>>
          %dma_start3A_281 = arith.constant 0 : i32
          %dma_start3A_282 = arith.constant 0 : i32
          %dma_start3A_283 = tpu.memref_slice %arg3[%dma_start3A_281, %dma_start3A_282] : memref<10000x128xf32, #tpu.memory_space<hbm>> -> memref<10000x128xf32, #tpu.memory_space<hbm>>
          tpu.enqueue_indirect_dma source(%dma_start3A_283 : memref<10000x128xf32, #tpu.memory_space<hbm>>) target(%arg15 : memref<80x128xf32, #tpu.memory_space<vmem>>) offsets(%dma_start3A_280 : memref<80xi32, #tpu.memory_space<vmem>>) semaphore(%arg25 : memref<!tpu.dma_semaphore, #tpu.memory_space<semaphore_mem>>)
        } else {
        }
      } else {
      }
    }
    %scan3A_116 = arith.constant 21 : i32
    %barrier3A_117 = arith.constant 0 : index
    tpu.barrier barrier_id(%barrier3A_117)
    %add3A = arith.addi %mul3A_0, %mul3A_55 : i32
    "tpu.region"() ({
      %run_scoped3A = tpu.sem_alloc : memref<!tpu.dma_semaphore, #tpu.memory_space<semaphore_mem>>
      %dma_start3A_118 = arith.constant 0 : i32
      %dma_start3A_119 = tpu.memref_slice %arg6[%add3A, %dma_start3A_118] : memref<20480x128xf32, #tpu.memory_space<hbm>> -> memref<640x128xf32, #tpu.memory_space<hbm>>
      %dma_start3A_120 = arith.constant 0 : i32
      %dma_start3A_121 = tpu.memref_slice %arg16[%mul3A_55, %dma_start3A_120] : memref<10240x128xf32, #tpu.memory_space<vmem_shared>> -> memref<640x128xf32, #tpu.memory_space<vmem_shared>>
      tpu.enqueue_dma source(%dma_start3A_121 : memref<640x128xf32, #tpu.memory_space<vmem_shared>>) target(%dma_start3A_119 : memref<640x128xf32, #tpu.memory_space<hbm>>) target_semaphore(%run_scoped3A : memref<!tpu.dma_semaphore, #tpu.memory_space<semaphore_mem>>)
      %dma_wait3A_122 = arith.constant 0 : i32
      %dma_wait3A_123 = tpu.memref_slice %arg6[%add3A, %dma_wait3A_122] : memref<20480x128xf32, #tpu.memory_space<hbm>> -> memref<640x128xf32, #tpu.memory_space<hbm>>
      %dma_wait3A_124 = arith.constant 0 : i32
      %dma_wait3A_125 = tpu.memref_slice %arg16[%mul3A_55, %dma_wait3A_124] : memref<10240x128xf32, #tpu.memory_space<vmem_shared>> -> memref<640x128xf32, #tpu.memory_space<vmem_shared>>
      tpu.wait_dma2 semaphore(%run_scoped3A : memref<!tpu.dma_semaphore, #tpu.memory_space<semaphore_mem>>) src(%dma_wait3A_125 : memref<640x128xf32, #tpu.memory_space<vmem_shared>>) dst(%dma_wait3A_123 : memref<640x128xf32, #tpu.memory_space<hbm>>)
      tpu.yield
    }) : () -> ()
    return
  }
}

module attributes {stable_mosaic.version = 14 : i64} {
  func.func @_weight_body(%arg0: i32, %arg1: memref<1000x256xf32, #tpu.memory_space<vmem>>, %arg2: memref<1000x1xf32, #tpu.memory_space<vmem>>, %arg3: memref<1000x128xf32, #tpu.memory_space<vmem>>, %arg4: memref<1000x128xf32, #tpu.memory_space<vmem>>) attributes {dimension_semantics = [#tpu.dimension_semantics<arbitrary>], iteration_bounds = array<i64: 10>, scalar_prefetch = 0 : i64, scratch_operands = 0 : i64, tpu.core_type = #tpu.core_type<tc>, window_params = [{transform_indices = @transform_0, window_bounds = array<i64: 1000, 256>}, {transform_indices = @transform_1, window_bounds = array<i64: 1000, 1>}, {transform_indices = @transform_2, window_bounds = array<i64: 1000, 128>}, {transform_indices = @transform_3, window_bounds = array<i64: 1000, 128>}]} {
    %get3A = arith.constant 0 : index
    %get3A_0 = arith.constant 0 : index
    %get3A_1 = vector.load %arg1[%get3A, %get3A_0] : memref<1000x256xf32, #tpu.memory_space<vmem>>, vector<1000x128xf32>
    %get3A_2 = arith.constant 0 : index
    %get3A_3 = arith.constant 0 : index
    %get3A_4 = vector.load %arg2[%get3A_2, %get3A_3] : memref<1000x1xf32, #tpu.memory_space<vmem>>, vector<1000x1xf32>
    %mul3A = vector.broadcast %get3A_4 : vector<1000x1xf32> to vector<1000x128xf32>
    %mul3A_5 = arith.mulf %get3A_1, %mul3A : vector<1000x128xf32>
    %swap3A = arith.constant 0 : index
    %swap3A_6 = arith.constant 0 : index
    %swap3A_7 = vector.load %arg3[%swap3A, %swap3A_6] : memref<1000x128xf32, #tpu.memory_space<vmem>>, vector<1000x128xf32>
    tpu.vector_store %arg3[%swap3A, %swap3A_6], %mul3A_5 {strides = array<i32>} : memref<1000x128xf32, #tpu.memory_space<vmem>>, vector<1000x128xf32>,
    %get3A_8 = arith.constant 0 : index
    %get3A_9 = arith.constant 128 : index
    %get3A_10 = vector.load %arg1[%get3A_8, %get3A_9] : memref<1000x256xf32, #tpu.memory_space<vmem>>, vector<1000x128xf32>
    %get3A_11 = arith.constant 0 : index
    %get3A_12 = arith.constant 0 : index
    %get3A_13 = vector.load %arg2[%get3A_11, %get3A_12] : memref<1000x1xf32, #tpu.memory_space<vmem>>, vector<1000x1xf32>
    %mul3A_14 = vector.broadcast %get3A_13 : vector<1000x1xf32> to vector<1000x128xf32>
    %mul3A_15 = arith.mulf %get3A_10, %mul3A_14 : vector<1000x128xf32>
    %swap3A_16 = arith.constant 0 : index
    %swap3A_17 = arith.constant 0 : index
    %swap3A_18 = vector.load %arg4[%swap3A_16, %swap3A_17] : memref<1000x128xf32, #tpu.memory_space<vmem>>, vector<1000x128xf32>
    tpu.vector_store %arg4[%swap3A_16, %swap3A_17], %mul3A_15 {strides = array<i32>} : memref<1000x128xf32, #tpu.memory_space<vmem>>, vector<1000x128xf32>,
    return
  }
  func.func @transform_0(%arg0: i32) -> (i32, i32) {
    %c0_i32 = arith.constant 0 : i32
    %c0_i32_0 = arith.constant 0 : i32
    return %arg0, %c0_i32 : i32, i32
  }
  func.func @transform_1(%arg0: i32) -> (i32, i32) {
    %c0_i32 = arith.constant 0 : i32
    %c0_i32_0 = arith.constant 0 : i32
    return %arg0, %c0_i32 : i32, i32
  }
  func.func @transform_2(%arg0: i32) -> (i32, i32) {
    %c0_i32 = arith.constant 0 : i32
    %c0_i32_0 = arith.constant 0 : i32
    return %arg0, %c0_i32 : i32, i32
  }
  func.func @transform_3(%arg0: i32) -> (i32, i32) {
    %c0_i32 = arith.constant 0 : i32
    %c0_i32_0 = arith.constant 0 : i32
    return %arg0, %c0_i32 : i32, i32
  }
}

module attributes {stable_mosaic.version = 14 : i64} {
  func.func @_scale_body(%arg0: i32, %arg1: memref<2x1000x128xf32, #tpu.memory_space<vmem>>, %arg2: memref<1000x1xf32, #tpu.memory_space<vmem>>, %arg3: memref<1000x256xf32, #tpu.memory_space<vmem>>) attributes {dimension_semantics = [#tpu.dimension_semantics<arbitrary>], iteration_bounds = array<i64: 10>, scalar_prefetch = 0 : i64, scratch_operands = 0 : i64, tpu.core_type = #tpu.core_type<tc>, window_params = [{transform_indices = @transform_0, window_bounds = array<i64: 2, 1000, 128>}, {transform_indices = @transform_1, window_bounds = array<i64: 1000, 1>}, {transform_indices = @transform_2, window_bounds = array<i64: 1000, 256>}]} {
    %get3A = arith.constant 0 : index
    %get3A_0 = arith.constant 0 : index
    %get3A_1 = arith.constant 0 : index
    %get3A_2 = vector.load %arg1[%get3A, %get3A_0, %get3A_1] : memref<2x1000x128xf32, #tpu.memory_space<vmem>>, vector<1x1000x128xf32>
    %get3A_3 = vector.shape_cast %get3A_2 : vector<1x1000x128xf32> to vector<1000x128xf32>
    %get3A_4 = arith.constant 0 : index
    %get3A_5 = arith.constant 0 : index
    %get3A_6 = vector.load %arg2[%get3A_4, %get3A_5] : memref<1000x1xf32, #tpu.memory_space<vmem>>, vector<1000x1xf32>
    %mul3A = vector.broadcast %get3A_6 : vector<1000x1xf32> to vector<1000x128xf32>
    %mul3A_7 = arith.mulf %get3A_3, %mul3A : vector<1000x128xf32>
    %swap3A = arith.constant 0 : index
    %swap3A_8 = arith.constant 0 : index
    %swap3A_9 = vector.load %arg3[%swap3A, %swap3A_8] : memref<1000x256xf32, #tpu.memory_space<vmem>>, vector<1000x128xf32>
    tpu.vector_store %arg3[%swap3A, %swap3A_8], %mul3A_7 {strides = array<i32>} : memref<1000x256xf32, #tpu.memory_space<vmem>>, vector<1000x128xf32>,
    %get3A_10 = arith.constant 1 : index
    %get3A_11 = arith.constant 0 : index
    %get3A_12 = arith.constant 0 : index
    %get3A_13 = vector.load %arg1[%get3A_10, %get3A_11, %get3A_12] : memref<2x1000x128xf32, #tpu.memory_space<vmem>>, vector<1x1000x128xf32>
    %get3A_14 = vector.shape_cast %get3A_13 : vector<1x1000x128xf32> to vector<1000x128xf32>
    %get3A_15 = arith.constant 0 : index
    %get3A_16 = arith.constant 0 : index
    %get3A_17 = vector.load %arg2[%get3A_15, %get3A_16] : memref<1000x1xf32, #tpu.memory_space<vmem>>, vector<1000x1xf32>
    %mul3A_18 = vector.broadcast %get3A_17 : vector<1000x1xf32> to vector<1000x128xf32>
    %mul3A_19 = arith.mulf %get3A_14, %mul3A_18 : vector<1000x128xf32>
    %swap3A_20 = arith.constant 0 : index
    %swap3A_21 = arith.constant 128 : index
    %swap3A_22 = vector.load %arg3[%swap3A_20, %swap3A_21] : memref<1000x256xf32, #tpu.memory_space<vmem>>, vector<1000x128xf32>
    tpu.vector_store %arg3[%swap3A_20, %swap3A_21], %mul3A_19 {strides = array<i32>} : memref<1000x256xf32, #tpu.memory_space<vmem>>, vector<1000x128xf32>,
    return
  }
  func.func @transform_0(%arg0: i32) -> (i32, i32, i32) {
    %c0_i32 = arith.constant 0 : i32
    %c0_i32_0 = arith.constant 0 : i32
    %c0_i32_1 = arith.constant 0 : i32
    return %c0_i32, %arg0, %c0_i32_0 : i32, i32, i32
  }
  func.func @transform_1(%arg0: i32) -> (i32, i32) {
    %c0_i32 = arith.constant 0 : i32
    %c0_i32_0 = arith.constant 0 : i32
    return %arg0, %c0_i32 : i32, i32
  }
  func.func @transform_2(%arg0: i32) -> (i32, i32) {
    %c0_i32 = arith.constant 0 : i32
    %c0_i32_0 = arith.constant 0 : i32
    return %arg0, %c0_i32 : i32, i32
  }
}

</mosaic_0001>

<sc_bundles>
// kernel: kernel.5.cloned.1.call-start
scs
__scs_entry_jumppad:
0x0: {  	(pc) =	sbr.rel $0x88, $3  }
0x1: {  	(tag) =	ssettag $0x0;
	lr =	simm.s32 $0x1  }
0x2: {  	[smem:$0x3F9D] =	sst lr;
	_ =	strace $0xD0000000  }
0x3: {  	_ = 	snop  }
0x4: {  	_ = 	snop  }
0x5: {  	_ = 	snop  }
0x6: {  	_ = 	snop  }
0x7: {  	_ = 	snop  }
__scs_overlays_trampoline_lowered:
0x8: {  	[smem:$0x3FAC] =	sst s0  }
0x9: {  	[smem:$0x3FAD] =	sst s1  }
0xa: {  	[smem:$0x3FAE] =	sst s2  }
0xb: {  	[smem:$0x3FAF] =	sst s3  }
0xc: {  	[smem:$0x3FB0] =	sst s4  }
0xd: {  	[smem:$0x3FB1] =	sst s5  }
0xe: {  	[smem:$0x3FB2] =	sst s6  }
0xf: {  	[smem:$0x3FB3] =	sst s7  }
0x10: {  	[smem:$0x3FB4] =	sst s8  }
0x11: {  	[smem:$0x3FB5] =	sst s9;
	s0 =	simm.s32 @!p0 $0x0  }
0x12: {  	s1 =	sld [smem:$0x3F9B];
	s0 =	simm.s32 @p0 $0x1  }
0x13: {  	[smem:$0x3FB6] =	sst s0;
	s0 =	simm.s32 @!p1 $0x0  }
0x14: {  	s2 =	sld [smem:$0x3F9A];
	s0 =	simm.s32 @p1 $0x1  }
0x15: {  	[smem:$0x3FB7] =	sst s0;
	s0 =	simm.s32 @!p2 $0x0  }
0x16: {  	s3 =	sld [smem:$0x3FDB];
	s0 =	simm.s32 @p2 $0x1  }
0x17: {  	s4 =	simm.s32 $0x1BF5;
	[smem:$0x3FB9] =	sst s0  }
0x18: {  	s0 =	sld [smem:$0x3F9C];
	_ =	swait.ge [sflag:s4], $0x0  }
0x19: {  	s7 =	sld [smem:$0x3F9D]  }
0x1a: {  	s8 =	sadd.s32 $0xFFFFE003, lr  }
0x1b: {  	s9 =	sadd.s32 $0xFFFFFEF7, lr;
	s5 =	simm.s32 $0xFFFFFFFF;
	p2 =	slt.u32 s8, $0xFFFFF086  }
0x1c: {  	p1 =	slt.u32 s9, $0xF7A;
	s5 =	simm.s32 @!p2 $0x0  }
0x1d: {  	s5 =	simm.s32 @p1 $0x1;
	p0 =	seq.s32 s7, s2  }
0x1e: {  	s7 =	smul.u32 @!p0 $0xF7A, s2;
	p2 =	seq.s32 @!p0 s5, $0x0  }
0x1f: {  	s9 =	smul.u32 $0xF7A, s1;
	s8 =	simm.s32 @!p0 $0x1BF5;
	p2 =	por !p2, p0  }
0x20: {  	[sflag:s8] =	ssyncset.s32 @!p0 $0xFFFFF086;
	s6 =	sadd.s32 @!p0 s3, s7;
	s7 =	simm.s32 @!p0 $0x108  }
0x21: {  	s3 =	sadd.s32 s3, s9;
	s6 =	sadd.s32 @!p0 $0x88, s6;
	s7 =	simm.s32 @p2 $0x1082  }
0x22: {  	[simem:s7], [sflag:s8] =	dma.local @!p0 [hbm:s6], $0xF7A  }
0x23: {  	s9 =	sor.u32 $0xD0000000, s2;
	s6 =	simm.s32 $0x108;
	_ =	swait.ge @!p0 [sflag:s8], $0x0  }
0x24: {  	s3 =	sadd.s32 $0x88, s3;
	s6 =	simm.s32 @!p1 $0x1082;
	[sflag:s4] =	ssyncset.s32 $0xFFFFF086  }
0x25: {  	[simem:s6], [sflag:s4] =	dma.local [hbm:s3], $0xF7A  }
0x26: {  	[smem:$0x3F9D] =	sst s1;
	(tag) =	ssettag s2;
	_ =	strace s9  }
0x27: {  	s1 =	sld [smem:$0x3FAD]  }
0x28: {  	s2 =	sld [smem:$0x3FAE]  }
0x29: {  	s4 =	sld [smem:$0x3FB0]  }
0x2a: {  	p0 =	seq.s32 s5, $0x0;
	s5 =	sld [smem:$0x3FB1]  }
0x2b: {  	s6 =	sld [smem:$0x3FB2]  }
0x2c: {  	s7 =	sld [smem:$0x3FB3]  }
0x2d: {  	s3 =	simm.s32 $0x108;
	s8 =	sld [smem:$0x3FB4]  }
0x2e: {  	s3 =	simm.s32 @!p0 $0x1082;
	s9 =	sld [smem:$0x3FB5]  }
0x2f: {  	lr =	sadd.s32 s0, s3;
	s0 =	sld [smem:$0x3FAC]  }
0x30: {  	s3 =	sld [smem:$0x3FAF]  }
0x31: {  	[smem:$0x3FB8] =	sst s10  }
0x32: {  	s10 =	sld [smem:$0x3FB6];
	_ =	sdelay $0x3  }
0x33: {  	p0 =	seq.s32 s10, $0x1;
	s10 =	sld [smem:$0x3FB8];
	_ =	sdelay $0x3  }
0x34: {  	[smem:$0x3FB8] =	sst s10  }
0x35: {  	s10 =	sld [smem:$0x3FB7];
	_ =	sdelay $0x3  }
0x36: {  	p1 =	seq.s32 s10, $0x1;
	s10 =	sld [smem:$0x3FB8];
	_ =	sdelay $0x3  }
0x37: {  	[smem:$0x3FB8] =	sst s10  }
0x38: {  	s10 =	sld [smem:$0x3FB9]  }
0x39: {  	_ = 	snop;
	(pc) =	sbr.ind lr, $3  }
0x3a: {  	_ = 	snop  }
0x3b: {  	_ = 	snop  }
0x3c: {  	p2 =	seq.s32 s10, $0x1;
	s10 =	sld [smem:$0x3FB8]  }
0x3d: {  	_ =	shalt  }
0x3e: {  	_ =	shalt  }
0x3f: {  	_ =	shalt  }
0x40: {  	_ =	shalt  }
0x41: {  	_ =	shalt  }
0x42: {  	_ =	shalt  }
0x43: {  	_ =	shalt  }
0x44: {  	_ =	shalt  }
0x45: {  	_ =	shalt  }
0x46: {  	_ =	shalt  }
0x47: {  	_ =	shalt  }
0x48: {  	_ =	shalt  }
0x49: {  	_ =	shalt  }
0x4a: {  	_ =	shalt  }
0x4b: {  	_ =	shalt  }
0x4c: {  	_ =	shalt  }
0x4d: {  	_ =	shalt  }
0x4e: {  	_ =	shalt  }
0x4f: {  	_ =	shalt  }
0x50: {  	_ =	shalt  }
0x51: {  	_ =	shalt  }
0x52: {  	_ =	shalt  }
0x53: {  	_ =	shalt  }
0x54: {  	_ =	shalt  }
0x55: {  	_ =	shalt  }
0x56: {  	_ =	shalt  }
0x57: {  	_ =	shalt  }
0x58: {  	_ =	shalt  }
0x59: {  	_ =	shalt  }
0x5a: {  	_ =	shalt  }
0x5b: {  	_ =	shalt  }
0x5c: {  	_ =	shalt  }
0x5d: {  	_ =	shalt  }
0x5e: {  	_ =	shalt  }
0x5f: {  	_ =	shalt  }
0x60: {  	_ =	shalt  }
0x61: {  	_ =	shalt  }
0x62: {  	_ =	shalt  }
0x63: {  	_ =	shalt  }
0x64: {  	_ =	shalt  }
0x65: {  	_ =	shalt  }
0x66: {  	_ =	shalt  }
0x67: {  	_ =	shalt  }
0x68: {  	_ =	shalt  }
0x69: {  	_ =	shalt  }
0x6a: {  	_ =	shalt  }
0x6b: {  	_ =	shalt  }
0x6c: {  	_ =	shalt  }
0x6d: {  	_ =	shalt  }
0x6e: {  	_ =	shalt  }
0x6f: {  	_ =	shalt  }
0x70: {  	_ =	shalt  }
0x71: {  	_ =	shalt  }
0x72: {  	_ =	shalt  }
0x73: {  	_ =	shalt  }
0x74: {  	_ =	shalt  }
0x75: {  	_ =	shalt  }
0x76: {  	_ =	shalt  }
0x77: {  	_ =	shalt  }
0x78: {  	_ =	shalt  }
0x79: {  	_ =	shalt  }
0x7a: {  	_ =	shalt  }
0x7b: {  	_ =	shalt  }
0x7c: {  	_ =	shalt  }
0x7d: {  	_ =	shalt  }
0x7e: {  	_ =	shalt  }
0x7f: {  	_ =	shalt  }
0x80: {  	_ =	shalt  }
0x81: {  	_ =	shalt  }
0x82: {  	_ =	shalt  }
0x83: {  	_ =	shalt  }
0x84: {  	_ =	shalt  }
0x85: {  	_ =	shalt  }
0x86: {  	_ =	shalt  }
0x87: {  	_ =	shalt  }
.Lfunc_end0:
.L_simem_size_0:
called_computation_lowered:
.L_overlay_start_0:
0x88: {  	s2 =	sld [smem:$0x3FD9]  }
0x89: {  	s3 =	sld [smem:$0x3FFE];
	_ =	sdelay $0x1  }
0x8a: {  	s1 =	srdreg.scid  }
0x8b: {  	s0 =	sand.u32 $0x1, s1  }
0x8c: {  	s17 =	sshll.u32 s0, $0xA;
	s2 =	sadd.s32 s3, s2  }
0x8d: {  	s2 =	sadd.s32 s2, s17  }
0x8e: {  	[smem:$0x3FC4] =	sst s2  }
0x8f: {  	_ = 	snop  }
0x90: {  	s2 =	sld [smem:$0x3FD0];
	(tm) =	ssettm $0x1  }
0x91: {  	s18 =	sld [smem:$0x3FFB];
	_ =	sdelay $0x3  }
0x92: {  	_ =	strace s18  }
0x93: {  	s3 =	sld [smem:$0x3FFC];
	_ =	sdelay $0x3  }
0x94: {  	_ =	strace s3  }
0x95: {  	s3 =	sld [smem:$0x3FFD];
	_ =	sdelay $0x3  }
0x96: {  	_ =	strace s3  }
0x97: {  	_ =	strace $0x8FFFFFFF  }
0x98: {  	s19 =	sld [smem:$0x3FDB];
	_ =	sdelay $0x1  }
0x99: {  	s4 =	simm.s32 $_scs_section_size  }
0x9a: {  	s5 =	simm.s32 $_size__tile_overlayer_lowered;
	s6 =	simm.s32 $_tile_overlayer_lowered  }
0x9b: {  	s22 =	simm.s32 $0x1BFF;
	s21 =	sshll.u32 s6, $0x1;
	s3 =	sadd.s32 s4, s19  }
0x9c: {  	s7 =	simm.s32 $0x0;
	s20 =	sshll.u32 s5, $0x1;
	s5 =	sadd.s32 s21, s3  }
0x9d: {  	[timem:s7], [sflag:s22] =	dma.local [hbm:s5], s20  }
0x9e: {  	_ =	swait.ge [sflag:s22], s20  }
0x9f: {  	s4 =	ssub.s32 $0x0, s20;
	[sflag:s22] =	ssyncset.done $0x0  }
0xa0: {  	[sflag:s22] =	ssyncadd.s32 s4;
	_ =	sdelay $0x1  }
0xa1: {  	s23 =	simm.s32 $0x1B8B  }
0xa2: {  	_ =	swait.ge [sflag:s23], $0x1  }
0xa3: {  	[sflag:s23] =	ssyncset.done $0x0  }
0xa4: {  	s25 =	simm.s32 $0x1B8E;
	s24 =	sld [smem:$0x3FFE];
	[sflag:s23] =	ssyncadd.s32 $0xFFFFFFFF  }
0xa5: {  	s26 =	simm.s32 $execute0_lowered;
	[smem:$0x3FD2] =	sst s25  }
0xa6: {  	s5 =	sshll.u32 s26, $0x1;
	_ =	strace $0x80000046;
	[dreg:$0x1] =	wrdreg $0xFFFFFFFF  }
0xa7: {  	s28 =	simm.s32 $_size_execute0_lowered;
	s3 =	sadd.s32 s3, s5;
	[dreg:$0x0] =	wrdreg $0x0  }
0xa8: {  	s5 =	sshll.u32 s28, $0x1;
	[dreg:$0x2] =	wrdreg s3  }
0xa9: {  	[dreg:$0x3] =	wrdreg s5  }
0xaa: {  	[dreg:$0x4] =	wrdreg $0xC0  }
0xab: {  	_ =	task [dreg:s7], $0x5FFFF  }
0xac: {  	[dreg:$0x1] =	wrdreg $0xFFFFFFFF  }
0xad: {  	[dreg:$0x0] =	wrdreg $0x60  }
0xae: {  	[dreg:$0x2] =	wrdreg s24  }
0xaf: {  	[dreg:$0x3] =	wrdreg s2  }
0xb0: {  	[dreg:$0x4] =	wrdreg $0x7E000  }
0xb1: {  	[dreg:$0x5] =	wrdreg $0x9  }
0xb2: {  	_ =	task.clear_ibuf [dreg:s7], $0x6FFFF;
	_ =	strace $0x90000046  }
0xb3: {  	s29 =	simm.s32 $0x9;
	_ =	strace $0x80000048  }
0xb4: {  	_ =	swait.ge [sflag:s29], $0x1  }
0xb5: {  	[sflag:s29] =	ssyncadd.s32 $0xFFFFFFFF  }
0xb6: {  	_ =	strace $0x90000048  }
0xb7: {  	_ =	sfence  }
0xb8: {  	s30 =	sld [smem:$0x0];
	_ =	sdelay $0x2  }
0xb9: {  	s31 =	sshll.u32 s1, $0xD;
	s1 =	sshrl.u32 s1, $0x2  }
0xba: {  	s3 =	sand.u32 $0x4000, s31;
	s1 =	sadd.s32 s1, s30  }
0xbb: {  	s0 =	sor.u32 s3, s0;
	s1 =	sshll.u32 s1, $0x11  }
0xbc: {  	s0 =	sor.u32 s1, s0  }
0xbd: {  	s0 =	sadd.s32 $0x8F2B, s0  }
0xbe: {  	[sflag:s0] =	ssyncadd.remote.s32 $0x1  }
0xbf: {  	_ =	sfence.sel $0xFFFF  }
0xc0: {  	[dreg:$0x0] =	wrdreg $0xFFFFFFFF;
	(pc) =	sbr.abs _section_cstart, $3  }
0xc1: {  	[dreg:$0x1] =	wrdreg $0xFFFFFFFF  }
0xc2: {  	_ =	task.clear_ibuf [dreg:s7], $0x2FFFF;
	_ =	strace $0x9FFFFFFF  }
0xc3: {  	(tm) =	ssettm $0x7FFFFFFF  }
tec
execute0_lowered:
.L_overlay_start_1:
0x0: {  	(tag) =	ssettag $0x1  }
0x1: {  	s0 =	rddreg [dreg:$0x0]  }
0x2: {  	s2 =	rddreg [dreg:$0x1]  }
0x3: {  	s1 =	rddreg [dreg:$0x2];
	s3 =	simm.s32 $0x0;
	s4 =	srdreg.scid  }
0x4: {  	s18 =	stileid.u32;
	s28 =	simm.s32 $0x50;
	s29 =	simm.s32 $0x600  }
0x5: {  	s31 =	simm.s32 $0x2E00;
	s13 =	simm.s32 $0x5;
	s8 =	smul.u32 $0x2800, s18  }
0x6: {  	s16 =	simm.s32 $0x9;
	s17 =	simm.s32 $0x6;
	s9 =	smul.u32 $0x7E00, s18  }
0x7: {  	[smem:$0x7FF] =	sst s3;
	s4 =	sand.u32 $0x1, s4;
	s21 =	smul.u32 $0x50000, s18  }
0x8: {  	s5 =	sadd.s32 $0x37600, s0;
	s6 =	sadd.s32 $0x10400, s0;
	s26 =	smul.u32 $0xFC0, s18  }
0x9: {  	s10 =	sadd.s32 $0x800, s0;
	s25 =	sshll.u32 s18, $0x6;
	s7 =	smul.u32 $0x28000, s4  }
0xa: {  	_ =	strace $0x80000047;
	s11 =	ssub.s32 $0x2, s4;
	p0 =	seq.s32 s4, $0x0  }
0xb: {  	s15 =	smov.u32 s6;
	s19 =	sshrl.u32 s11, $0x1;
	s9 =	sshrl.u32 s9, $0x3  }
0xc: {  	s2 =	sadd.s32 s2, s8;
	s15 =	smov.u32 @p0 s5;
	s18 =	sadd.s32 s26, s10  }
0xd: {  	s26 =	simm.s32 $0x580;
	s7 =	sadd.s32 s8, s7;
	s20 =	sadd.s32 s10, s9  }
0xe: {  	s9 =	sshrl.u32 s21, $0x2;
	[dreg:$0xa] =	wrdreg s2;
	s2 =	simm.s32 $0x5600  }
0xf: {  	s8 =	simm.s32 $0x7;
	s10 =	simm.s32 $0x4;
	s0 =	sadd.s32 s7, s0  }
0x10: {  	s7 =	ssub.s32 s11, s19;
	s12 =	sadd.s32 $0x20, s20;
	[dreg:$0x4] =	wrdreg s20  }
0x11: {  	s22 =	sadd.s32 $0x40, s20;
	s23 =	sadd.s32 $0x60, s20;
	[dreg:$0x5] =	wrdreg s12  }
0x12: {  	s24 =	sadd.s32 $0x80, s20;
	s11 =	sadd.s32 $0xA0, s20;
	[dreg:$0x6] =	wrdreg s22  }
0x13: {  	s9 =	sadd.s32 s9, s1;
	s20 =	sor.u32 $0x1C0A, s25;
	[dreg:$0x7] =	wrdreg s23  }
0x14: {  	s25 =	simm.s32 $0xA;
	s19 =	simm.s32 $0x280;
	[dreg:$0x8] =	wrdreg s24  }
.Ltmp0:
0x15: {  	[dreg:$0x9] =	wrdreg s11;
	s0 =	sadd.s32 $0x5E800, s0;
	(pc) =	sbr.rel .LBB2_1-.Ltmp0, $4  }
0x16: {  	s30 =	smax.u32 s7, $0x1;
	s23 =	simm.s32 $0x500;
	[dreg:$0xb] =	wrdreg s20  }
0x17: {  	s22 =	sshrl.u32 s9, $0x3;
	s11 =	simm.s32 $0x8;
	[dreg:$0xc] =	wrdreg s0  }
0x18: {  	s12 =	simm.s32 $0x180;
	s7 =	simm.s32 $0x380;
	[dreg:$0xd] =	wrdreg s30  }
0x19: {  	s9 =	simm.s32 $0x0;
	s0 =	simm.s32 $0x3;
	[dreg:$0xe] =	wrdreg s22  }
.LBB2_4:
0x1a: {  	[bflag:$0x0] =	sbarrier.arrive $0xFFFF  }
0x1b: {  	s20 =	rddreg [dreg:$0xb]  }
0x1c: {  	s3 =	rddreg [dreg:$0xc]  }
0x1d: {  	s22 =	rddreg [dreg:$0xe]  }
0x1e: {  	[hbm:s3], [sflag:s20] =	dma.local [spmem:s22], $0x2800  }
0x1f: {  	_ =	swait.ge [sflag:s25], $0x2800  }
0x20: {  	s9 =	rddreg [dreg:$0xf]  }
0x21: {  	s30 =	rddreg [dreg:$0xd];
	s9 =	sadd.s32 $0x1, s9  }
0x22: {  	p0 =	sne.s32 s9, s30  }
.Ltmp1:
0x23: {  	_ = 	snop;
	(pc) =	sbr.rel @!p0 .LBB2_5-.Ltmp1, $3  }
0x24: {  	_ =	sdelay $0x1  }
0x25: {  	[sflag:s25] =	ssyncset.done $0x0  }
0x26: {  	[sflag:s25] =	ssyncadd.s32 $0xFFFFD800  }
.LBB2_1:
0x27: {  	[dreg:$0xf] =	wrdreg s9  }
0x28: {  	s3 =	simm.s32 $0x0;
	s14 =	rddreg [dreg:$0x4]  }
0x29: {  	[tilespmem:s3], [sflag:$0x1] =	stream.linear.gather [hbm4b:s14+s3], $0x100, $0x38;
	[tilespmem:$0x1BE00] =	vst v63  }
0x2a: {  	s24 =	rddreg [dreg:$0x5];
	s21 =	simm.s32 $0x100  }
0x2b: {  	[tilespmem:s21], [sflag:$0x2] =	stream.linear.gather [hbm4b:s24+s3], $0x100, $0x38;
	[tilespmem:$0x1BE00] =	vst v63  }
0x2c: {  	s30 =	rddreg [dreg:$0x6];
	s24 =	simm.s32 $0x200  }
0x2d: {  	[tilespmem:s24], [sflag:$0x3] =	stream.linear.gather [hbm4b:s30+s3], $0x100, $0x38;
	[tilespmem:$0x1BE00] =	vst v63  }
0x2e: {  	s9 =	rddreg [dreg:$0x7];
	s30 =	simm.s32 $0x300  }
0x2f: {  	[tilespmem:s30], [sflag:$0x4] =	stream.linear.gather [hbm4b:s9+s3], $0x100, $0x38;
	[tilespmem:$0x1BE00] =	vst v63  }
0x30: {  	s9 =	rddreg [dreg:$0x8];
	s30 =	simm.s32 $0x400  }
0x31: {  	[tilespmem:s30], [sflag:$0x5] =	stream.linear.gather [hbm4b:s9+s3], $0x100, $0x38;
	[tilespmem:$0x1BE00] =	vst v63  }
0x32: {  	s30 =	rddreg [dreg:$0x9]  }
0x33: {  	s9 =	rddreg [dreg:$0xa]  }
0x34: {  	[tilespmem:s23], [sflag:$0x6] =	stream.linear.gather [hbm4b:s30+s3], $0x100, $0x38;
	[tilespmem:$0x1BE00] =	vst v63  }
0x35: {  	[spmem:s22], [sflag:s20] =	dma.local [hbm:s9], $0x2800  }
0x36: {  	_ =	swait.ge [sflag:s25], $0x2800  }
0x37: {  	[sflag:s25] =	ssyncset.done $0x0  }
0x38: {  	[sflag:s25] =	ssyncadd.s32 $0xFFFFD800  }
0x39: {  	s22 =	simm.s32 $0x1;
	[bflag:$0x0] =	sbarrier.arrive $0xFFFF  }
0x3a: {  	_ =	swait.ge [sflag:s22], $0x100  }
0x3b: {  	[sflag:s22] =	ssyncset.done $0x0  }
0x3c: {  	s30 =	simm.s32 $0x2;
	[sflag:s22] =	ssyncadd.s32 $0xFFFFFF00  }
0x3d: {  	[tilespmem:s29], [sflag:$0x7] =	stream.indirect.gather [hbm4b:s15+s28], $0x80, s3, s28, $0xb8;
	[tilespmem:$0x1BE00] =	vst v63  }
0x3e: {  	_ =	swait.ge [sflag:s30], $0x100  }
0x3f: {  	[sflag:s30] =	ssyncset.done $0x0  }
0x40: {  	[sflag:s30] =	ssyncadd.s32 $0xFFFFFF00  }
0x41: {  	[tilespmem:s31], [sflag:$0x8] =	stream.indirect.gather [hbm4b:s15+s28], $0x80, s21, s28, $0xb8;
	[tilespmem:$0x1BE00] =	vst v63  }
0x42: {  	_ =	swait.ge [sflag:s0], $0x100  }
0x43: {  	s14 =	simm.s32 $0x0;
	[sflag:s0] =	ssyncset.done $0x0  }
0x44: {  	s9 =	simm.s32 $0x200;
	s22 =	simm.s32 $0x0;
	[sflag:s0] =	ssyncadd.s32 $0xFFFFFF00  }
0x45: {  	[tilespmem:s2], [sflag:$0x9] =	stream.indirect.gather [hbm4b:s15+s28], $0x80, s24, s28, $0xb8;
	[tilespmem:$0x1BE00] =	vst v63  }
.LBB2_2:
0x46: {  	_ =	swait.ge [sflag:s8], $0x2800  }
0x47: {  	[sflag:s8] =	ssyncset.done $0x0  }
0x48: {  	s3 =	simm.s32 $0x80;
	[sflag:s8] =	ssyncadd.s32 $0xFFFFD800  }
0x49: {  	[spmem:s1] =	stream.indirect.scatter.add.f32 [tilespmem:s29], [sflag:$0xA], $0x80, s3, s28, $0xb8;
	[tilespmem:$0x1BE00] =	vst v63  }
0x4a: {  	p0 =	seq.s32 s14, $0xF00;
	_ =	swait.ge [sflag:s25], $0x2800  }
0x4b: {  	s24 =	sadd.s32 @!p0 s14, s18;
	[sflag:s25] =	ssyncset.done $0x0  }
0x4c: {  	s30 =	simm.s32 @!p0 $0x0;
	s3 =	sadd.s32 @!p0 $0xC0, s24;
	[sflag:s25] =	ssyncadd.s32 $0xFFFFD800  }
0x4d: {  	[tilespmem:s30], [sflag:$0x1] =	stream.linear.gather @!p0 [hbm4b:s3+s30], $0x100, $0x38;
	[tilespmem:$0x1BE00] =	vst v63  }
0x4e: {  	_ =	swait.ge [sflag:s10], $0x100  }
0x4f: {  	[sflag:s10] =	ssyncset.done $0x0  }
0x50: {  	s20 =	simm.s32 $0x300;
	[sflag:s10] =	ssyncadd.s32 $0xFFFFFF00  }
0x51: {  	[tilespmem:s29], [sflag:$0x7] =	stream.indirect.gather [hbm4b:s15+s28], $0x80, s20, s28, $0xb8;
	[tilespmem:$0x1BE00] =	vst v63  }
0x52: {  	_ =	swait.ge [sflag:s11], $0x2800  }
0x53: {  	[sflag:s11] =	ssyncset.done $0x0  }
0x54: {  	[sflag:s11] =	ssyncadd.s32 $0xFFFFD800  }
0x55: {  	[spmem:s1] =	stream.indirect.scatter.add.f32 [tilespmem:s31], [sflag:$0xA], $0x80, s12, s28, $0xb8;
	[tilespmem:$0x1BE00] =	vst v63  }
0x56: {  	_ =	swait.ge [sflag:s25], $0x2800  }
0x57: {  	[sflag:s25] =	ssyncset.done $0x0  }
0x58: {  	s3 =	sadd.s32 @!p0 $0xE0, s24;
	s20 =	simm.s32 @!p0 $0x100;
	[sflag:s25] =	ssyncadd.s32 $0xFFFFD800  }
0x59: {  	[tilespmem:s20], [sflag:$0x2] =	stream.linear.gather @!p0 [hbm4b:s3+s30], $0x100, $0x38;
	[tilespmem:$0x1BE00] =	vst v63  }
0x5a: {  	_ =	swait.ge [sflag:s13], $0x100  }
0x5b: {  	[sflag:s13] =	ssyncset.done $0x0  }
0x5c: {  	s21 =	simm.s32 $0x400;
	[sflag:s13] =	ssyncadd.s32 $0xFFFFFF00  }
0x5d: {  	[tilespmem:s31], [sflag:$0x8] =	stream.indirect.gather [hbm4b:s15+s28], $0x80, s21, s28, $0xb8;
	[tilespmem:$0x1BE00] =	vst v63  }
0x5e: {  	_ =	swait.ge [sflag:s16], $0x2800  }
0x5f: {  	[sflag:s16] =	ssyncset.done $0x0  }
0x60: {  	[sflag:s16] =	ssyncadd.s32 $0xFFFFD800  }
0x61: {  	[spmem:s1] =	stream.indirect.scatter.add.f32 [tilespmem:s2], [sflag:$0xA], $0x80, s19, s28, $0xb8;
	[tilespmem:$0x1BE00] =	vst v63  }
0x62: {  	_ =	swait.ge [sflag:s25], $0x2800  }
0x63: {  	[sflag:s25] =	ssyncset.done $0x0  }
0x64: {  	s3 =	sadd.s32 @!p0 $0x100, s24;
	s20 =	simm.s32 @!p0 $0x200;
	[sflag:s25] =	ssyncadd.s32 $0xFFFFD800  }
0x65: {  	[tilespmem:s20], [sflag:$0x3] =	stream.linear.gather @!p0 [hbm4b:s3+s30], $0x100, $0x38;
	[tilespmem:$0x1BE00] =	vst v63  }
0x66: {  	_ =	swait.ge [sflag:s17], $0x100  }
0x67: {  	[sflag:s17] =	ssyncset.done $0x0  }
0x68: {  	[sflag:s17] =	ssyncadd.s32 $0xFFFFFF00  }
0x69: {  	[tilespmem:s2], [sflag:$0x9] =	stream.indirect.gather [hbm4b:s15+s28], $0x80, s23, s28, $0xb8;
	[tilespmem:$0x1BE00] =	vst v63  }
0x6a: {  	_ =	swait.ge [sflag:s8], $0x2800  }
0x6b: {  	[sflag:s8] =	ssyncset.done $0x0  }
0x6c: {  	[sflag:s8] =	ssyncadd.s32 $0xFFFFD800  }
0x6d: {  	[spmem:s1] =	stream.indirect.scatter.add.f32 [tilespmem:s29], [sflag:$0xA], $0x80, s7, s28, $0xb8;
	[tilespmem:$0x1BE00] =	vst v63  }
0x6e: {  	_ =	swait.ge [sflag:s25], $0x2800  }
0x6f: {  	[sflag:s25] =	ssyncset.done $0x0  }
0x70: {  	s3 =	simm.s32 @p0 $0x8;
	[sflag:s25] =	ssyncadd.s32 $0xFFFFD800  }
0x71: {  	_ =	swait.ge @p0 [sflag:s3], $0x2800  }
0x72: {  	s21 =	simm.s32 @p0 $0x2E00;
	[sflag:s3] =	ssyncset.done @p0 $0x0  }
0x73: {  	s20 =	simm.s32 @p0 $0x480;
	[sflag:s3] =	ssyncadd.s32 @p0 $0xFFFFD800;
	s3 =	simm.s32 @p0 $0x50  }
0x74: {  	[spmem:s1] =	stream.indirect.scatter.add.f32 @p0 [tilespmem:s21], [sflag:$0xA], $0x80, s20, s3, $0xb8;
	[tilespmem:$0x1BE00] =	vst v63  }
0x75: {  	s3 =	simm.s32 @p0 $0xA  }
0x76: {  	_ =	swait.ge @p0 [sflag:s3], $0x2800  }
0x77: {  	[sflag:s3] =	ssyncset.done @p0 $0x0  }
0x78: {  	s20 =	simm.s32 @!p0 $0x300;
	[sflag:s3] =	ssyncadd.s32 @p0 $0xFFFFD800;
	s3 =	sadd.s32 @!p0 $0x120, s24  }
0x79: {  	[tilespmem:s20], [sflag:$0x4] =	stream.linear.gather @!p0 [hbm4b:s3+s30], $0x100, $0x38;
	[tilespmem:$0x1BE00] =	vst v63  }
0x7a: {  	s3 =	simm.s32 @!p0 $0x1  }
0x7b: {  	_ =	swait.ge @!p0 [sflag:s3], $0x100  }
0x7c: {  	[sflag:s3] =	ssyncset.done @!p0 $0x0  }
0x7d: {  	s20 =	simm.s32 @!p0 $0x600;
	[sflag:s3] =	ssyncadd.s32 @!p0 $0xFFFFFF00;
	s3 =	simm.s32 @!p0 $0x50  }
0x7e: {  	[tilespmem:s20], [sflag:$0x7] =	stream.indirect.gather @!p0 [hbm4b:s15+s3], $0x80, s30, s3, $0xb8;
	[tilespmem:$0x1BE00] =	vst v63  }
0x7f: {  	s20 =	simm.s32 @!p0 $0x8  }
0x80: {  	_ =	swait.ge @!p0 [sflag:s20], $0x2800  }
0x81: {  	[sflag:s20] =	ssyncset.done @!p0 $0x0  }
0x82: {  	s21 =	simm.s32 @!p0 $0x2E00;
	[sflag:s20] =	ssyncadd.s32 @!p0 $0xFFFFD800;
	s20 =	simm.s32 @!p0 $0x480  }
0x83: {  	[spmem:s1] =	stream.indirect.scatter.add.f32 @!p0 [tilespmem:s21], [sflag:$0xA], $0x80, s20, s3, $0xb8;
	[tilespmem:$0x1BE00] =	vst v63  }
0x84: {  	s3 =	simm.s32 @!p0 $0xA  }
0x85: {  	_ =	swait.ge @!p0 [sflag:s3], $0x2800  }
0x86: {  	[sflag:s3] =	ssyncset.done @!p0 $0x0  }
0x87: {  	s20 =	simm.s32 @!p0 $0x400;
	[sflag:s3] =	ssyncadd.s32 @!p0 $0xFFFFD800;
	s3 =	sadd.s32 @!p0 $0x140, s24  }
0x88: {  	[tilespmem:s20], [sflag:$0x5] =	stream.linear.gather @!p0 [hbm4b:s3+s30], $0x100, $0x38;
	[tilespmem:$0x1BE00] =	vst v63  }
0x89: {  	p1 =	sne.s32 @!p0 s4, $0x0;
	s3 =	simm.s32 @!p0 $0x2  }
0x8a: {  	p2 =	por !p1, p0;
	_ =	swait.ge @!p0 [sflag:s3], $0x100  }
0x8b: {  	p1 =	por p1, p0;
	s21 =	simm.s32 @!p2 $0x2E00;
	[sflag:s3] =	ssyncset.done @!p0 $0x0  }
0x8c: {  	s20 =	simm.s32 @!p2 $0x100;
	[sflag:s3] =	ssyncadd.s32 @!p0 $0xFFFFFF00;
	s3 =	simm.s32 @!p2 $0x50  }
0x8d: {  	[tilespmem:s21], [sflag:$0x8] =	stream.indirect.gather @!p2 [hbm4b:s6+s3], $0x80, s20, s3, $0xb8;
	[tilespmem:$0x1BE00] =	vst v63  }
0x8e: {  	s3 =	simm.s32 @!p1 $0x50;
	s20 =	simm.s32 @!p1 $0x100;
	s21 =	simm.s32 @!p1 $0x2E00  }
0x8f: {  	[tilespmem:s21], [sflag:$0x8] =	stream.indirect.gather @!p1 [hbm4b:s5+s3], $0x80, s20, s3, $0xb8;
	[tilespmem:$0x1BE00] =	vst v63  }
0x90: {  	_ =	swait.ge [sflag:s16], $0x2800  }
0x91: {  	[sflag:s16] =	ssyncset.done $0x0  }
.Ltmp2:
0x92: {  	[sflag:s16] =	ssyncadd.s32 $0xFFFFD800;
	(pc) =	sbr.rel @p0 .LBB2_4-.Ltmp2, $4  }
0x93: {  	[spmem:s1] =	stream.indirect.scatter.add.f32 [tilespmem:s2], [sflag:$0xA], $0x80, s26, s28, $0xb8;
	[tilespmem:$0x1BE00] =	vst v63  }
0x94: {  	_ =	swait.ge [sflag:s25], $0x2800  }
0x95: {  	[sflag:s25] =	ssyncset.done $0x0  }
0x96: {  	[sflag:s25] =	ssyncadd.s32 $0xFFFFD800  }
0x97: {  	s3 =	sadd.s32 s14, s18  }
0x98: {  	s3 =	sadd.s32 $0x160, s3  }
0x99: {  	[tilespmem:s23], [sflag:$0x6] =	stream.linear.gather [hbm4b:s3+s22], $0x100, $0x38;
	[tilespmem:$0x1BE00] =	vst v63  }
.Ltmp3:
0x9a: {  	_ = 	snop;
	(pc) =	sbr.rel .LBB2_2-.Ltmp3, $4  }
0x9b: {  	_ =	swait.ge [sflag:s0], $0x100  }
0x9c: {  	[sflag:s0] =	ssyncset.done $0x0  }
0x9d: {  	s14 =	sadd.s32 $0xC0, s14;
	[sflag:s0] =	ssyncadd.s32 $0xFFFFFF00  }
0x9e: {  	[tilespmem:s2], [sflag:$0x9] =	stream.indirect.gather [hbm4b:s15+s28], $0x80, s9, s28, $0xb8;
	[tilespmem:$0x1BE00] =	vst v63  }
.LBB2_5:
0x9f: {  	_ =	sfence.sel $0x180000  }
0xa0: {  	[bflag:$0x0] =	sbarrier.arrive $0xFFFF  }
0xa1: {  	_ =	strace $0x90000047  }
0xa2: {  	s0 =	stileid.u32;
	[bflag:$0x2] =	sbarrier.arrive $0xFFFF  }
0xa3: {  	p0 =	sne.s32 s0, $0x0;
	s0 =	rddreg [dreg:$0x3]  }
0xa4: {  	s0 =	sadd.s32 @!p0 $0x100000, s0  }
0xa5: {  	[sflag:s0] =	ssyncadd.tile.s32 @!p0 $0x1;
	_ =	shalt  }
.Lfunc_end2:
_tile_overlayer_lowered:
.L_overlay_start_2:
0xa6: {  	(tag) =	ssettag $0x2  }
0xa7: {  	s0 =	rddreg [dreg:$0x0];
	s2 =	stileid.u32  }
0xa8: {  	s1 =	rddreg [dreg:$0x1];
	p0 =	sne.s32 s2, $0x0  }
0xa9: {  	s3 =	rddreg [dreg:$0x2];
	[bflag:$0x3] =	sbarrier.arrive $0xFFFF;
	s2 =	simm.s32 @!p0 $0x1C0A  }
0xaa: {  	[timem:s3], [sflag:s2] =	dma.local @!p0 [hbm:s0], s1  }
0xab: {  	s0 =	simm.s32 @!p0 $0xA  }
0xac: {  	_ =	swait.ge @!p0 [sflag:s0], s1  }
0xad: {  	s1 =	ssub.s32 @!p0 $0x0, s1;
	[sflag:s0] =	ssyncset.done @!p0 $0x0  }
0xae: {  	[sflag:s0] =	ssyncadd.s32 @!p0 s1  }
0xaf: {  	[bflag:$0x3] =	sbarrier.arrive $0xFFFF  }
0xb0: {  	_ =	shalt  }

</sc_bundles>
